<compile_context>
chip_gen: v7x
topology: tpu7x:2x2x1
jax: 0.10.2.dev20260603
libtpu: 0.0.44.dev20260713+nightly
codegen_flags: <defaults>
</compile_context>

<pallas_src>
import jax
import jax.numpy as jnp
from jax import lax
from jax.experimental import pallas as pl
from jax.experimental.pallas import tpu as pltpu
from jax.experimental.pallas import tpu_sc as plsc

N_PTS = 3200000
N_SEG = 100000
N_TILES = N_PTS // 128
NW = 32
PW = 3128
KW = PW * 4
TAB4 = 4 * KW
OUT_PAD = NW * KW
BLKP = 4096
BLKT = BLKP // 128
NG = BLKP // 4
NBLK16 = N_PTS // 16


def _worker_body(lidar_hbm, idx_hbm, out_hbm, dbuf_a, ibuf_a, dbuf_b, ibuf_b,
                 table, sbuf, sem_a, sem_b, sem_s):
    iota = lax.iota(jnp.int32, 16)
    iota_div4 = lax.shift_right_logical(iota, 2)
    comp = jnp.bitwise_and(iota, 3)
    class_off = iota_div4 * KW

    wid = lax.axis_index("s") * 2 + lax.axis_index("c")
    t_lo = (wid * PW).astype(jnp.int32)
    t_hi = t_lo + PW

    def searchsorted(t):
        def step(k, base):
            stp = lax.shift_right_logical(jnp.int32(1 << 17), k)
            cand = jnp.minimum(base + stp, jnp.int32(NBLK16))
            off = pl.multiple_of((cand - 1) * 16, 16)
            pltpu.async_copy(idx_hbm.at[pl.ds(off, 16)], sbuf, sem_s).wait()
            first = sbuf[...][0]
            take = jnp.logical_and(base + stp <= NBLK16, first < t)
            return jnp.where(take, cand, base)

        return lax.fori_loop(0, 18, step, jnp.int32(0))

    s0 = jnp.bitwise_and(jnp.maximum(searchsorted(t_lo) - 1, 0) * 16,
                         jnp.int32(-128))
    e0 = jnp.minimum(jnp.bitwise_and(searchsorted(t_hi) * 16 + 127,
                                     jnp.int32(-128)), N_PTS)
    nblk = lax.shift_right_logical(e0 - s0 + (BLKP - 1), 12)
    npairs = lax.shift_right_logical(nblk + 1, 1)

    def issue(bnum, dbuf, ibuf, sem):
        start = pl.multiple_of(jnp.minimum(s0 + bnum * BLKP, N_PTS - BLKP),
                               128)
        pltpu.async_copy(idx_hbm.at[pl.ds(start, BLKP)],
                         ibuf.at[pl.ds(0, BLKP)], sem)
        pltpu.async_copy(
            lidar_hbm.at[pl.ds(lax.shift_right_logical(start, 7), BLKT)],
            dbuf.at[pl.ds(0, BLKT)], sem)

    def wait_buf(dbuf, ibuf, sem):
        pltpu.make_async_copy(idx_hbm.at[pl.ds(0, BLKP)],
                              ibuf.at[pl.ds(0, BLKP)], sem).wait()
        pltpu.make_async_copy(lidar_hbm.at[pl.ds(0, BLKT)],
                              dbuf.at[pl.ds(0, BLKT)], sem).wait()

    issue(0, dbuf_a, ibuf_a, sem_a)
    issue(1, dbuf_b, ibuf_b, sem_b)

    def init_body(i, _):
        table[pl.ds(i * 16, 16)] = jnp.full((16,), jnp.inf, jnp.float32)
        return 0

    lax.fori_loop(0, TAB4 // 16, init_body, 0)

    def process(dbuf, ibuf):
        def pre(g):
            pidx = plsc.load_gather(ibuf, [g * 4 + iota_div4])
            valid = jnp.logical_and(pidx >= t_lo, pidx < t_hi)
            local = (pidx - t_lo) * 4 + comp
            slot = jnp.clip(local, 0, KW - 1) + class_off
            tvec = jnp.broadcast_to(lax.shift_right_logical(g, 5), (16,))
            qvec = jnp.bitwise_and(g, 31) * 4 + iota_div4
            v = plsc.load_gather(dbuf, [tvec, comp, qvec])
            return slot, valid, v

        def g_body(i, carry):
            s1, m1, v1, s2, m2, v2 = carry
            c1 = plsc.load_gather(table, [s1], mask=m1)
            plsc.store_scatter(table, [s1], jnp.minimum(c1, v1), mask=m1)
            c2 = plsc.load_gather(table, [s2], mask=m2)
            plsc.store_scatter(table, [s2], jnp.minimum(c2, v2), mask=m2)
            return pre(i * 2 + 2) + pre(i * 2 + 3)

        lax.fori_loop(0, NG // 2, g_body,
                      pre(jnp.int32(0)) + pre(jnp.int32(1)))

    def pair_body(bb, _):
        wait_buf(dbuf_a, ibuf_a, sem_a)
        process(dbuf_a, ibuf_a)
        issue(2 * bb + 2, dbuf_a, ibuf_a, sem_a)
        wait_buf(dbuf_b, ibuf_b, sem_b)
        process(dbuf_b, ibuf_b)
        issue(2 * bb + 3, dbuf_b, ibuf_b, sem_b)
        return 0

    lax.fori_loop(0, npairs, pair_body, 0)
    wait_buf(dbuf_a, ibuf_a, sem_a)
    wait_buf(dbuf_b, ibuf_b, sem_b)

    def merge_body(i, _):
        a = jnp.minimum(table[pl.ds(i * 16, 16)], table[pl.ds(KW + i * 16, 16)])
        b = jnp.minimum(table[pl.ds(2 * KW + i * 16, 16)],
                        table[pl.ds(3 * KW + i * 16, 16)])
        table[pl.ds(i * 16, 16)] = jnp.minimum(a, b)
        return 0

    lax.fori_loop(0, KW // 16, merge_body, 0)
    pltpu.async_copy(table.at[pl.ds(0, KW)],
                     out_hbm.at[pl.ds(pl.multiple_of(wid * KW, 16), KW)],
                     sem_s).wait()


@jax.jit
def _segment_min_sc(lidar_t, index):
    mesh = plsc.VectorSubcoreMesh(core_axis_name="c", subcore_axis_name="s")
    run = pl.kernel(
        _worker_body,
        mesh=mesh,
        compiler_params=pltpu.CompilerParams(needs_layout_passes=False),
        out_type=jax.ShapeDtypeStruct((OUT_PAD,), jnp.float32),
        scratch_types=[
            pltpu.VMEM((BLKT + 1, 4, 128), jnp.float32),
            pltpu.VMEM((BLKP + 16,), jnp.int32),
            pltpu.VMEM((BLKT + 1, 4, 128), jnp.float32),
            pltpu.VMEM((BLKP + 16,), jnp.int32),
            pltpu.VMEM((TAB4,), jnp.float32),
            pltpu.VMEM((16,), jnp.int32),
            pltpu.SemaphoreType.DMA,
            pltpu.SemaphoreType.DMA,
            pltpu.SemaphoreType.DMA,
        ],
    )
    return run(lidar_t, index)


def kernel(lidar, index):
    lidar_t = lidar.reshape(N_TILES, 128, 4).transpose(0, 2, 1)
    out_flat = _segment_min_sc(lidar_t, index)
    groupby_min = out_flat[: N_SEG * 4].reshape(N_SEG, 4)[:, :3]
    return lidar, groupby_min

# --- scband reference (transcript-rebuilt; emitter-appended) ---
"""Pipeline reference for scband-point-voxel-net-22222160789825 (READ-ONLY COPY).

The authoritative reference and input builder live on the scoring server;
editing this copy changes nothing except your own understanding.
"""

import jax, jax.numpy as jnp
import numpy as np

NUM_SEGMENTS = 100000
N_POINTS = 3200000


def setup_inputs(seed: int = 0) -> dict:
    key = jax.random.key(seed)
    k1, k2 = jax.random.split(key)
    lidar = jax.random.normal(k1, (N_POINTS, 4), dtype=jnp.float32)
    index = jnp.sort(jax.random.randint(k2, (N_POINTS,), 0, NUM_SEGMENTS, dtype=jnp.int32))
    return {"lidar": lidar, "index": index}


def reference(lidar, index):
    # groupby_min_scatter(index, lidar[:, :3]) -> per-voxel (segment) minimum of xyz
    groupby_min = jax.ops.segment_min(lidar[:, :3], index, num_segments=NUM_SEGMENTS)
    # original forward returns lidar unchanged; we also return the segment-min so the
    # scatter-min reduction is not dead-code-eliminated under jit
    return lidar, groupby_min

if __name__ == "__main__":
    import jax
    _d = setup_inputs()
    print(jax.jit(kernel)(*tuple(_d.values())))

</pallas_src>

<mosaic_0001>
#map = affine_map<(d0, d1) -> (0, 0, 0)>
#map1 = affine_map<(d0, d1) -> (0)>
module attributes {stable_mosaic.version = 14 : i64} {
  func.func @_worker_body(%arg0: i32, %arg1: i32, %arg2: memref<25000x4x128xf32, #tpu.memory_space<hbm>>, %arg3: memref<3200000xi32, #tpu.memory_space<hbm>>, %arg4: memref<400384xf32, #tpu.memory_space<hbm>>, %arg5: memref<33x4x128xf32, #tpu.memory_space<vmem>>, %arg6: memref<4112xi32, #tpu.memory_space<vmem>>, %arg7: memref<33x4x128xf32, #tpu.memory_space<vmem>>, %arg8: memref<4112xi32, #tpu.memory_space<vmem>>, %arg9: memref<50048xf32, #tpu.memory_space<vmem>>, %arg10: memref<16xi32, #tpu.memory_space<vmem>>, %arg11: memref<!tpu.dma_semaphore, #tpu.memory_space<semaphore_mem>>, %arg12: memref<!tpu.dma_semaphore, #tpu.memory_space<semaphore_mem>>, %arg13: memref<!tpu.dma_semaphore, #tpu.memory_space<semaphore_mem>>) attributes {dimension_semantics = [#tpu.dimension_semantics<core_parallel>, #tpu.dimension_semantics<subcore_parallel>], iteration_bounds = array<i64: 2, 16>, scalar_prefetch = 0 : i64, scratch_operands = 9 : i64, tpu.core_type = #tpu.core_type<sc_vector_subcore>, window_params = [{transform_indices = #map}, {transform_indices = #map1}, {transform_indices = #map1}]} {
    %iota3A = tpu.iota {dimensions = array<i32: 0>} : vector<16xi32>
    %shift_right_logical3A = arith.constant 2 : i32
    %shift_right_logical3A_0 = vector.broadcast %shift_right_logical3A : i32 to vector<16xi32>
    %shift_right_logical3A_1 = arith.shrui %iota3A, %shift_right_logical3A_0 : vector<16xi32>
    %and3A = arith.constant 3 : i32
    %and3A_2 = vector.broadcast %and3A : i32 to vector<16xi32>
    %and3A_3 = arith.andi %iota3A, %and3A_2 : vector<16xi32>
    %mul3A = arith.constant 12512 : i32
    %mul3A_4 = vector.broadcast %mul3A : i32 to vector<16xi32>
    %mul3A_5 = arith.muli %shift_right_logical3A_1, %mul3A_4 : vector<16xi32>
    %mul3A_6 = arith.constant 2 : i32
    %mul3A_7 = arith.muli %arg1, %mul3A_6 : i32
    %add3A = arith.addi %mul3A_7, %arg0 : i32
    %mul3A_8 = arith.constant 3128 : i32
    %mul3A_9 = arith.muli %add3A, %mul3A_8 : i32
    %add3A_10 = arith.constant 3128 : i32
    %add3A_11 = arith.addi %mul3A_9, %add3A_10 : i32
    %scan3A = arith.constant 0 : i32
    %scan3A_12 = arith.constant 0 : i32
    %scan3A_13 = arith.constant 18 : i32
    %scan3A_14 = arith.addi %scan3A_12, %scan3A_13 : i32
    %scan3A_15 = arith.constant 1 : i32
    %scan3A_16 = scf.for %scan3A_186 = %scan3A_12 to %scan3A_14 step %scan3A_15 iter_args(%scan3A_187 = %scan3A) -> (i32)  : i32 {
      %shift_right_logical3A_188 = arith.constant 131072 : i32
      %shift_right_logical3A_189 = arith.shrui %shift_right_logical3A_188, %scan3A_186 : i32
      %add3A_190 = arith.addi %scan3A_187, %shift_right_logical3A_189 : i32
      %min3A_191 = arith.constant 200000 : i32
      %min3A_192 = arith.minsi %add3A_190, %min3A_191 : i32
      %sub3A_193 = arith.constant 1 : i32
      %sub3A_194 = arith.subi %min3A_192, %sub3A_193 : i32
      %mul3A_195 = arith.constant 16 : i32
      %mul3A_196 = arith.muli %sub3A_194, %mul3A_195 : i32
      %multiple_of3A_197 = tpu.assume_multiple %mul3A_196, 16 : i32
      %dma_start3A_198 = tpu.memref_slice %arg3[%multiple_of3A_197] : memref<3200000xi32, #tpu.memory_space<hbm>> -> memref<16xi32, #tpu.memory_space<hbm>>
      %dma_start3A_199 = tpu.memref_slice %arg3[%multiple_of3A_197] : memref<3200000xi32, #tpu.memory_space<hbm>> -> memref<16xi32, #tpu.memory_space<hbm>>
      tpu.enqueue_dma source(%dma_start3A_199 : memref<16xi32, #tpu.memory_space<hbm>>) target(%arg10 : memref<16xi32, #tpu.memory_space<vmem>>) target_semaphore(%arg13 : memref<!tpu.dma_semaphore, #tpu.memory_space<semaphore_mem>>)
      %dma_wait3A_200 = tpu.memref_slice %arg3[%multiple_of3A_197] : memref<3200000xi32, #tpu.memory_space<hbm>> -> memref<16xi32, #tpu.memory_space<hbm>>
      %dma_wait3A_201 = tpu.memref_slice %arg3[%multiple_of3A_197] : memref<3200000xi32, #tpu.memory_space<hbm>> -> memref<16xi32, #tpu.memory_space<hbm>>
      tpu.wait_dma2 semaphore(%arg13 : memref<!tpu.dma_semaphore, #tpu.memory_space<semaphore_mem>>) src(%dma_wait3A_201 : memref<16xi32, #tpu.memory_space<hbm>>) dst(%arg10 : memref<16xi32, #tpu.memory_space<vmem>>)
      %get3A = arith.constant 0 : index
      %get3A_202 = tpu.vector_load %arg10[%get3A] {strides = array<i32>} : memref<16xi32, #tpu.memory_space<vmem>>, vector<16xi32>,
      %slice3A = vector.extract_strided_slice %get3A_202 {offsets = [0], sizes = [1], strides = [1]} : vector<16xi32> to vector<1xi32>
      %squeeze3A = vector.extract %slice3A[0] : i32 from vector<1xi32>
      %add3A_203 = arith.addi %scan3A_187, %shift_right_logical3A_189 : i32
      %le3A = arith.constant 200000 : i32
      %le3A_204 = arith.cmpi sle, %add3A_203, %le3A : i32
      %lt3A = arith.cmpi slt, %squeeze3A, %mul3A_9 : i32
      %and3A_205 = arith.andi %le3A_204, %lt3A : i1
      %select_n3A = arith.select %and3A_205, %min3A_192, %scan3A_187 : i32
      scf.yield %select_n3A : i32
    }
    %scan3A_17 = arith.constant 18 : i32
    %sub3A = arith.constant 1 : i32
    %sub3A_18 = arith.subi %scan3A_16, %sub3A : i32
    %max3A = arith.constant 0 : i32
    %max3A_19 = arith.maxsi %sub3A_18, %max3A : i32
    %mul3A_20 = arith.constant 16 : i32
    %mul3A_21 = arith.muli %max3A_19, %mul3A_20 : i32
    %and3A_22 = arith.constant -128 : i32
    %and3A_23 = arith.andi %mul3A_21, %and3A_22 : i32
    %scan3A_24 = arith.constant 0 : i32
    %scan3A_25 = arith.constant 0 : i32
    %scan3A_26 = arith.constant 18 : i32
    %scan3A_27 = arith.addi %scan3A_25, %scan3A_26 : i32
    %scan3A_28 = arith.constant 1 : i32
    %scan3A_29 = scf.for %scan3A_186 = %scan3A_25 to %scan3A_27 step %scan3A_28 iter_args(%scan3A_187 = %scan3A_24) -> (i32)  : i32 {
      %shift_right_logical3A_188 = arith.constant 131072 : i32
      %shift_right_logical3A_189 = arith.shrui %shift_right_logical3A_188, %scan3A_186 : i32
      %add3A_190 = arith.addi %scan3A_187, %shift_right_logical3A_189 : i32
      %min3A_191 = arith.constant 200000 : i32
      %min3A_192 = arith.minsi %add3A_190, %min3A_191 : i32
      %sub3A_193 = arith.constant 1 : i32
      %sub3A_194 = arith.subi %min3A_192, %sub3A_193 : i32
      %mul3A_195 = arith.constant 16 : i32
      %mul3A_196 = arith.muli %sub3A_194, %mul3A_195 : i32
      %multiple_of3A_197 = tpu.assume_multiple %mul3A_196, 16 : i32
      %dma_start3A_198 = tpu.memref_slice %arg3[%multiple_of3A_197] : memref<3200000xi32, #tpu.memory_space<hbm>> -> memref<16xi32, #tpu.memory_space<hbm>>
      %dma_start3A_199 = tpu.memref_slice %arg3[%multiple_of3A_197] : memref<3200000xi32, #tpu.memory_space<hbm>> -> memref<16xi32, #tpu.memory_space<hbm>>
      tpu.enqueue_dma source(%dma_start3A_199 : memref<16xi32, #tpu.memory_space<hbm>>) target(%arg10 : memref<16xi32, #tpu.memory_space<vmem>>) target_semaphore(%arg13 : memref<!tpu.dma_semaphore, #tpu.memory_space<semaphore_mem>>)
      %dma_wait3A_200 = tpu.memref_slice %arg3[%multiple_of3A_197] : memref<3200000xi32, #tpu.memory_space<hbm>> -> memref<16xi32, #tpu.memory_space<hbm>>
      %dma_wait3A_201 = tpu.memref_slice %arg3[%multiple_of3A_197] : memref<3200000xi32, #tpu.memory_space<hbm>> -> memref<16xi32, #tpu.memory_space<hbm>>
      tpu.wait_dma2 semaphore(%arg13 : memref<!tpu.dma_semaphore, #tpu.memory_space<semaphore_mem>>) src(%dma_wait3A_201 : memref<16xi32, #tpu.memory_space<hbm>>) dst(%arg10 : memref<16xi32, #tpu.memory_space<vmem>>)
      %get3A = arith.constant 0 : index
      %get3A_202 = tpu.vector_load %arg10[%get3A] {strides = array<i32>} : memref<16xi32, #tpu.memory_space<vmem>>, vector<16xi32>,
      %slice3A = vector.extract_strided_slice %get3A_202 {offsets = [0], sizes = [1], strides = [1]} : vector<16xi32> to vector<1xi32>
      %squeeze3A = vector.extract %slice3A[0] : i32 from vector<1xi32>
      %add3A_203 = arith.addi %scan3A_187, %shift_right_logical3A_189 : i32
      %le3A = arith.constant 200000 : i32
      %le3A_204 = arith.cmpi sle, %add3A_203, %le3A : i32
      %lt3A = arith.cmpi slt, %squeeze3A, %add3A_11 : i32
      %and3A_205 = arith.andi %le3A_204, %lt3A : i1
      %select_n3A = arith.select %and3A_205, %min3A_192, %scan3A_187 : i32
      scf.yield %select_n3A : i32
    }
    %scan3A_30 = arith.constant 18 : i32
    %mul3A_31 = arith.constant 16 : i32
    %mul3A_32 = arith.muli %scan3A_29, %mul3A_31 : i32
    %add3A_33 = arith.constant 127 : i32
    %add3A_34 = arith.addi %mul3A_32, %add3A_33 : i32
    %and3A_35 = arith.constant -128 : i32
    %and3A_36 = arith.andi %add3A_34, %and3A_35 : i32
    %min3A = arith.constant 3200000 : i32
    %min3A_37 = arith.minsi %and3A_36, %min3A : i32
    %sub3A_38 = arith.subi %min3A_37, %and3A_23 : i32
    %add3A_39 = arith.constant 4095 : i32
    %add3A_40 = arith.addi %sub3A_38, %add3A_39 : i32
    %shift_right_logical3A_41 = arith.constant 12 : i32
    %shift_right_logical3A_42 = arith.shrui %add3A_40, %shift_right_logical3A_41 : i32
    %add3A_43 = arith.constant 1 : i32
    %add3A_44 = arith.addi %shift_right_logical3A_42, %add3A_43 : i32
    %shift_right_logical3A_45 = arith.constant 1 : i32
    %shift_right_logical3A_46 = arith.shrui %add3A_44, %shift_right_logical3A_45 : i32
    %add3A_47 = arith.constant 0 : i32
    %add3A_48 = arith.addi %and3A_23, %add3A_47 : i32
    %min3A_49 = arith.constant 3195904 : i32
    %min3A_50 = arith.minsi %add3A_48, %min3A_49 : i32
    %multiple_of3A = tpu.assume_multiple %min3A_50, 128 : i32
    %dma_start3A = arith.constant 0 : i32
    %dma_start3A_51 = tpu.memref_slice %arg6[%dma_start3A] : memref<4112xi32, #tpu.memory_space<vmem>> -> memref<4096xi32, #tpu.memory_space<vmem>>
    %dma_start3A_52 = tpu.memref_slice %arg3[%multiple_of3A] : memref<3200000xi32, #tpu.memory_space<hbm>> -> memref<4096xi32, #tpu.memory_space<hbm>>
    %dma_start3A_53 = arith.constant 0 : i32
    %dma_start3A_54 = tpu.memref_slice %arg6[%dma_start3A_53] : memref<4112xi32, #tpu.memory_space<vmem>> -> memref<4096xi32, #tpu.memory_space<vmem>>
    %dma_start3A_55 = tpu.memref_slice %arg3[%multiple_of3A] : memref<3200000xi32, #tpu.memory_space<hbm>> -> memref<4096xi32, #tpu.memory_space<hbm>>
    tpu.enqueue_dma source(%dma_start3A_55 : memref<4096xi32, #tpu.memory_space<hbm>>) target(%dma_start3A_54 : memref<4096xi32, #tpu.memory_space<vmem>>) target_semaphore(%arg11 : memref<!tpu.dma_semaphore, #tpu.memory_space<semaphore_mem>>)
    %shift_right_logical3A_56 = arith.constant 7 : i32
    %shift_right_logical3A_57 = arith.shrui %multiple_of3A, %shift_right_logical3A_56 : i32
    %dma_start3A_58 = arith.constant 0 : i32
    %dma_start3A_59 = arith.constant 0 : i32
    %dma_start3A_60 = arith.constant 0 : i32
    %dma_start3A_61 = tpu.memref_slice %arg5[%dma_start3A_58, %dma_start3A_59, %dma_start3A_60] : memref<33x4x128xf32, #tpu.memory_space<vmem>> -> memref<32x4x128xf32, #tpu.memory_space<vmem>>
    %dma_start3A_62 = arith.constant 0 : i32
    %dma_start3A_63 = arith.constant 0 : i32
    %dma_start3A_64 = tpu.memref_slice %arg2[%shift_right_logical3A_57, %dma_start3A_62, %dma_start3A_63] : memref<25000x4x128xf32, #tpu.memory_space<hbm>> -> memref<32x4x128xf32, #tpu.memory_space<hbm>>
    %dma_start3A_65 = arith.constant 0 : i32
    %dma_start3A_66 = arith.constant 0 : i32
    %dma_start3A_67 = arith.constant 0 : i32
    %dma_start3A_68 = tpu.memref_slice %arg5[%dma_start3A_65, %dma_start3A_66, %dma_start3A_67] : memref<33x4x128xf32, #tpu.memory_space<vmem>> -> memref<32x4x128xf32, #tpu.memory_space<vmem>>
    %dma_start3A_69 = arith.constant 0 : i32
    %dma_start3A_70 = arith.constant 0 : i32
    %dma_start3A_71 = tpu.memref_slice %arg2[%shift_right_logical3A_57, %dma_start3A_69, %dma_start3A_70] : memref<25000x4x128xf32, #tpu.memory_space<hbm>> -> memref<32x4x128xf32, #tpu.memory_space<hbm>>
    tpu.enqueue_dma source(%dma_start3A_71 : memref<32x4x128xf32, #tpu.memory_space<hbm>>) target(%dma_start3A_68 : memref<32x4x128xf32, #tpu.memory_space<vmem>>) target_semaphore(%arg11 : memref<!tpu.dma_semaphore, #tpu.memory_space<semaphore_mem>>)
    %add3A_72 = arith.constant 4096 : i32
    %add3A_73 = arith.addi %and3A_23, %add3A_72 : i32
    %min3A_74 = arith.constant 3195904 : i32
    %min3A_75 = arith.minsi %add3A_73, %min3A_74 : i32
    %multiple_of3A_76 = tpu.assume_multiple %min3A_75, 128 : i32
    %dma_start3A_77 = arith.constant 0 : i32
    %dma_start3A_78 = tpu.memref_slice %arg8[%dma_start3A_77] : memref<4112xi32, #tpu.memory_space<vmem>> -> memref<4096xi32, #tpu.memory_space<vmem>>
    %dma_start3A_79 = tpu.memref_slice %arg3[%multiple_of3A_76] : memref<3200000xi32, #tpu.memory_space<hbm>> -> memref<4096xi32, #tpu.memory_space<hbm>>
    %dma_start3A_80 = arith.constant 0 : i32
    %dma_start3A_81 = tpu.memref_slice %arg8[%dma_start3A_80] : memref<4112xi32, #tpu.memory_space<vmem>> -> memref<4096xi32, #tpu.memory_space<vmem>>
    %dma_start3A_82 = tpu.memref_slice %arg3[%multiple_of3A_76] : memref<3200000xi32, #tpu.memory_space<hbm>> -> memref<4096xi32, #tpu.memory_space<hbm>>
    tpu.enqueue_dma source(%dma_start3A_82 : memref<4096xi32, #tpu.memory_space<hbm>>) target(%dma_start3A_81 : memref<4096xi32, #tpu.memory_space<vmem>>) target_semaphore(%arg12 : memref<!tpu.dma_semaphore, #tpu.memory_space<semaphore_mem>>)
    %shift_right_logical3A_83 = arith.constant 7 : i32
    %shift_right_logical3A_84 = arith.shrui %multiple_of3A_76, %shift_right_logical3A_83 : i32
    %dma_start3A_85 = arith.constant 0 : i32
    %dma_start3A_86 = arith.constant 0 : i32
    %dma_start3A_87 = arith.constant 0 : i32
    %dma_start3A_88 = tpu.memref_slice %arg7[%dma_start3A_85, %dma_start3A_86, %dma_start3A_87] : memref<33x4x128xf32, #tpu.memory_space<vmem>> -> memref<32x4x128xf32, #tpu.memory_space<vmem>>
    %dma_start3A_89 = arith.constant 0 : i32
    %dma_start3A_90 = arith.constant 0 : i32
    %dma_start3A_91 = tpu.memref_slice %arg2[%shift_right_logical3A_84, %dma_start3A_89, %dma_start3A_90] : memref<25000x4x128xf32, #tpu.memory_space<hbm>> -> memref<32x4x128xf32, #tpu.memory_space<hbm>>
    %dma_start3A_92 = arith.constant 0 : i32
    %dma_start3A_93 = arith.constant 0 : i32
    %dma_start3A_94 = arith.constant 0 : i32
    %dma_start3A_95 = tpu.memref_slice %arg7[%dma_start3A_92, %dma_start3A_93, %dma_start3A_94] : memref<33x4x128xf32, #tpu.memory_space<vmem>> -> memref<32x4x128xf32, #tpu.memory_space<vmem>>
    %dma_start3A_96 = arith.constant 0 : i32
    %dma_start3A_97 = arith.constant 0 : i32
    %dma_start3A_98 = tpu.memref_slice %arg2[%shift_right_logical3A_84, %dma_start3A_96, %dma_start3A_97] : memref<25000x4x128xf32, #tpu.memory_space<hbm>> -> memref<32x4x128xf32, #tpu.memory_space<hbm>>
    tpu.enqueue_dma source(%dma_start3A_98 : memref<32x4x128xf32, #tpu.memory_space<hbm>>) target(%dma_start3A_95 : memref<32x4x128xf32, #tpu.memory_space<vmem>>) target_semaphore(%arg12 : memref<!tpu.dma_semaphore, #tpu.memory_space<semaphore_mem>>)
    %scan3A_99 = arith.constant 0 : i32
    %scan3A_100 = arith.constant 0 : i32
    %scan3A_101 = arith.constant 3128 : i32
    %scan3A_102 = arith.addi %scan3A_100, %scan3A_101 : i32
    %scan3A_103 = arith.constant 1 : i32
    %scan3A_104 = scf.for %scan3A_186 = %scan3A_100 to %scan3A_102 step %scan3A_103 iter_args(%scan3A_187 = %scan3A_99) -> (i32)  : i32 {
      %broadcast_in_dim3A = arith.constant 0x7F800000 : f32
      %broadcast_in_dim3A_188 = vector.broadcast %broadcast_in_dim3A : f32 to vector<16xf32>
      %mul3A_189 = arith.constant 16 : i32
      %mul3A_190 = arith.muli %scan3A_186, %mul3A_189 : i32
      %swap3A = arith.index_cast %mul3A_190 : i32 to index
      %swap3A_191 = tpu.vector_load %arg9[%swap3A] {strides = array<i32>} : memref<50048xf32, #tpu.memory_space<vmem>>, vector<16xf32>,
      tpu.vector_store %arg9[%swap3A], %broadcast_in_dim3A_188 {strides = array<i32>} : memref<50048xf32, #tpu.memory_space<vmem>>, vector<16xf32>,
      %scan3A_192 = arith.constant 0 : i32
      scf.yield %scan3A_192 : i32
    }
    %scan3A_105 = arith.constant 3128 : i32
    %while3A = arith.constant 0 : i32
    %while3A_106 = arith.constant 0 : i32
    %while3A_107 = arith.subi %shift_right_logical3A_46, %while3A : i32
    %while3A_108 = arith.addi %while3A, %while3A_107 : i32
    %while3A_109 = arith.constant 1 : i32
    %while3A_110 = arith.divsi %while3A_107, %while3A_109 : i32
    %while3A_111 = arith.muli %while3A_110, %while3A_109 : i32
    %while3A_112 = arith.addi %while3A, %while3A_111 : i32
    %while3A_113 = arith.constant 1 : i32
    %while3A_114 = scf.for %while3A_186 = %while3A to %while3A_112 step %while3A_113 iter_args(%while3A_187 = %while3A_106) -> (i32)  : i32 {
      %dma_wait3A_188 = arith.constant 0 : i32
      %dma_wait3A_189 = tpu.memref_slice %arg6[%dma_wait3A_188] : memref<4112xi32, #tpu.memory_space<vmem>> -> memref<4096xi32, #tpu.memory_space<vmem>>
      %dma_wait3A_190 = arith.constant 0 : i32
      %dma_wait3A_191 = tpu.memref_slice %arg3[%dma_wait3A_190] : memref<3200000xi32, #tpu.memory_space<hbm>> -> memref<4096xi32, #tpu.memory_space<hbm>>
      %dma_wait3A_192 = arith.constant 0 : i32
      %dma_wait3A_193 = tpu.memref_slice %arg6[%dma_wait3A_192] : memref<4112xi32, #tpu.memory_space<vmem>> -> memref<4096xi32, #tpu.memory_space<vmem>>
      %dma_wait3A_194 = arith.constant 0 : i32
      %dma_wait3A_195 = tpu.memref_slice %arg3[%dma_wait3A_194] : memref<3200000xi32, #tpu.memory_space<hbm>> -> memref<4096xi32, #tpu.memory_space<hbm>>
      tpu.wait_dma2 semaphore(%arg11 : memref<!tpu.dma_semaphore, #tpu.memory_space<semaphore_mem>>) src(%dma_wait3A_195 : memref<4096xi32, #tpu.memory_space<hbm>>) dst(%dma_wait3A_193 : memref<4096xi32, #tpu.memory_space<vmem>>)
      %dma_wait3A_196 = arith.constant 0 : i32
      %dma_wait3A_197 = arith.constant 0 : i32
      %dma_wait3A_198 = arith.constant 0 : i32
      %dma_wait3A_199 = tpu.memref_slice %arg5[%dma_wait3A_196, %dma_wait3A_197, %dma_wait3A_198] : memref<33x4x128xf32, #tpu.memory_space<vmem>> -> memref<32x4x128xf32, #tpu.memory_space<vmem>>
      %dma_wait3A_200 = arith.constant 0 : i32
      %dma_wait3A_201 = arith.constant 0 : i32
      %dma_wait3A_202 = arith.constant 0 : i32
      %dma_wait3A_203 = tpu.memref_slice %arg2[%dma_wait3A_200, %dma_wait3A_201, %dma_wait3A_202] : memref<25000x4x128xf32, #tpu.memory_space<hbm>> -> memref<32x4x128xf32, #tpu.memory_space<hbm>>
      %dma_wait3A_204 = arith.constant 0 : i32
      %dma_wait3A_205 = arith.constant 0 : i32
      %dma_wait3A_206 = arith.constant 0 : i32
      %dma_wait3A_207 = tpu.memref_slice %arg5[%dma_wait3A_204, %dma_wait3A_205, %dma_wait3A_206] : memref<33x4x128xf32, #tpu.memory_space<vmem>> -> memref<32x4x128xf32, #tpu.memory_space<vmem>>
      %dma_wait3A_208 = arith.constant 0 : i32
      %dma_wait3A_209 = arith.constant 0 : i32
      %dma_wait3A_210 = arith.constant 0 : i32
      %dma_wait3A_211 = tpu.memref_slice %arg2[%dma_wait3A_208, %dma_wait3A_209, %dma_wait3A_210] : memref<25000x4x128xf32, #tpu.memory_space<hbm>> -> memref<32x4x128xf32, #tpu.memory_space<hbm>>
      tpu.wait_dma2 semaphore(%arg11 : memref<!tpu.dma_semaphore, #tpu.memory_space<semaphore_mem>>) src(%dma_wait3A_211 : memref<32x4x128xf32, #tpu.memory_space<hbm>>) dst(%dma_wait3A_207 : memref<32x4x128xf32, #tpu.memory_space<vmem>>)
      %mul3A_212 = arith.constant 0 : i32
      %mul3A_213 = arith.constant 4 : i32
      %mul3A_214 = arith.muli %mul3A_212, %mul3A_213 : i32
      %add3A_215 = vector.broadcast %mul3A_214 : i32 to vector<16xi32>
      %add3A_216 = arith.addi %add3A_215, %shift_right_logical3A_1 : vector<16xi32>
      %gather3A = tpu.vector_load_idx %arg6[%add3A_216] : memref<4112xi32, #tpu.memory_space<vmem>>[vector<16xi32>], vector<16xi32>,
      %ge3A = vector.broadcast %mul3A_9 : i32 to vector<16xi32>
      %ge3A_217 = arith.cmpi sge, %gather3A, %ge3A : vector<16xi32>
      %lt3A = vector.broadcast %add3A_11 : i32 to vector<16xi32>
      %lt3A_218 = arith.cmpi slt, %gather3A, %lt3A : vector<16xi32>
      %and3A_219 = arith.andi %ge3A_217, %lt3A_218 : vector<16xi1>
      %sub3A_220 = vector.broadcast %mul3A_9 : i32 to vector<16xi32>
      %sub3A_221 = arith.subi %gather3A, %sub3A_220 : vector<16xi32>
      %mul3A_222 = arith.constant 4 : i32
      %mul3A_223 = vector.broadcast %mul3A_222 : i32 to vector<16xi32>
      %mul3A_224 = arith.muli %sub3A_221, %mul3A_223 : vector<16xi32>
      %add3A_225 = arith.addi %mul3A_224, %and3A_3 : vector<16xi32>
      %jit3A = arith.constant 0 : i32
      %jit3A_226 = arith.constant 12511 : i32
      %max3A_227 = vector.broadcast %jit3A : i32 to vector<16xi32>
      %max3A_228 = arith.maxsi %max3A_227, %add3A_225 : vector<16xi32>
      %min3A_229 = vector.broadcast %jit3A_226 : i32 to vector<16xi32>
      %min3A_230 = arith.minsi %min3A_229, %max3A_228 : vector<16xi32>
      %add3A_231 = arith.addi %min3A_230, %mul3A_5 : vector<16xi32>
      %shift_right_logical3A_232 = arith.constant 0 : i32
      %shift_right_logical3A_233 = arith.constant 5 : i32
      %shift_right_logical3A_234 = arith.shrui %shift_right_logical3A_232, %shift_right_logical3A_233 : i32
      %broadcast_in_dim3A = vector.broadcast %shift_right_logical3A_234 : i32 to vector<16xi32>
      %and3A_235 = arith.constant 0 : i32
      %and3A_236 = arith.constant 31 : i32
      %and3A_237 = arith.andi %and3A_235, %and3A_236 : i32
      %mul3A_238 = arith.constant 4 : i32
      %mul3A_239 = arith.muli %and3A_237, %mul3A_238 : i32
      %add3A_240 = vector.broadcast %mul3A_239 : i32 to vector<16xi32>
      %add3A_241 = arith.addi %add3A_240, %shift_right_logical3A_1 : vector<16xi32>
      %gather3A_242 = tpu.vector_load_idx %arg5[%broadcast_in_dim3A, %and3A_3, %add3A_241] : memref<33x4x128xf32, #tpu.memory_space<vmem>>[vector<16xi32>, vector<16xi32>, vector<16xi32>], vector<16xf32>,
      %mul3A_243 = arith.constant 1 : i32
      %mul3A_244 = arith.constant 4 : i32
      %mul3A_245 = arith.muli %mul3A_243, %mul3A_244 : i32
      %add3A_246 = vector.broadcast %mul3A_245 : i32 to vector<16xi32>
      %add3A_247 = arith.addi %add3A_246, %shift_right_logical3A_1 : vector<16xi32>
      %gather3A_248 = tpu.vector_load_idx %arg6[%add3A_247] : memref<4112xi32, #tpu.memory_space<vmem>>[vector<16xi32>], vector<16xi32>,
      %ge3A_249 = vector.broadcast %mul3A_9 : i32 to vector<16xi32>
      %ge3A_250 = arith.cmpi sge, %gather3A_248, %ge3A_249 : vector<16xi32>
      %lt3A_251 = vector.broadcast %add3A_11 : i32 to vector<16xi32>
      %lt3A_252 = arith.cmpi slt, %gather3A_248, %lt3A_251 : vector<16xi32>
      %and3A_253 = arith.andi %ge3A_250, %lt3A_252 : vector<16xi1>
      %sub3A_254 = vector.broadcast %mul3A_9 : i32 to vector<16xi32>
      %sub3A_255 = arith.subi %gather3A_248, %sub3A_254 : vector<16xi32>
      %mul3A_256 = arith.constant 4 : i32
      %mul3A_257 = vector.broadcast %mul3A_256 : i32 to vector<16xi32>
      %mul3A_258 = arith.muli %sub3A_255, %mul3A_257 : vector<16xi32>
      %add3A_259 = arith.addi %mul3A_258, %and3A_3 : vector<16xi32>
      %jit3A_260 = arith.constant 0 : i32
      %jit3A_261 = arith.constant 12511 : i32
      %max3A_262 = vector.broadcast %jit3A_260 : i32 to vector<16xi32>
      %max3A_263 = arith.maxsi %max3A_262, %add3A_259 : vector<16xi32>
      %min3A_264 = vector.broadcast %jit3A_261 : i32 to vector<16xi32>
      %min3A_265 = arith.minsi %min3A_264, %max3A_263 : vector<16xi32>
      %add3A_266 = arith.addi %min3A_265, %mul3A_5 : vector<16xi32>
      %shift_right_logical3A_267 = arith.constant 1 : i32
      %shift_right_logical3A_268 = arith.constant 5 : i32
      %shift_right_logical3A_269 = arith.shrui %shift_right_logical3A_267, %shift_right_logical3A_268 : i32
      %broadcast_in_dim3A_270 = vector.broadcast %shift_right_logical3A_269 : i32 to vector<16xi32>
      %and3A_271 = arith.constant 1 : i32
      %and3A_272 = arith.constant 31 : i32
      %and3A_273 = arith.andi %and3A_271, %and3A_272 : i32
      %mul3A_274 = arith.constant 4 : i32
      %mul3A_275 = arith.muli %and3A_273, %mul3A_274 : i32
      %add3A_276 = vector.broadcast %mul3A_275 : i32 to vector<16xi32>
      %add3A_277 = arith.addi %add3A_276, %shift_right_logical3A_1 : vector<16xi32>
      %gather3A_278 = tpu.vector_load_idx %arg5[%broadcast_in_dim3A_270, %and3A_3, %add3A_277] : memref<33x4x128xf32, #tpu.memory_space<vmem>>[vector<16xi32>, vector<16xi32>, vector<16xi32>], vector<16xf32>,
      %scan3A_279 = arith.constant 0 : i32
      %scan3A_280 = arith.constant 512 : i32
      %scan3A_281 = arith.addi %scan3A_279, %scan3A_280 : i32
      %scan3A_282 = arith.constant 1 : i32
      %scan3A_283:6 = scf.for %scan3A_452 = %scan3A_279 to %scan3A_281 step %scan3A_282 iter_args(%scan3A_453 = %add3A_231, %scan3A_454 = %and3A_219, %scan3A_455 = %gather3A_242, %scan3A_456 = %add3A_266, %scan3A_457 = %and3A_253, %scan3A_458 = %gather3A_278) -> (vector<16xi32>, vector<16xi1>, vector<16xf32>, vector<16xi32>, vector<16xi1>, vector<16xf32>)  : i32 {
        %gather3A_459 = tpu.vector_load_idx %arg9[%scan3A_453] masked %scan3A_454 : memref<50048xf32, #tpu.memory_space<vmem>>[vector<16xi32>], vector<16xf32>, vector<16xi1>
        %min3A_460 = arith.minimumf %gather3A_459, %scan3A_455 : vector<16xf32>
        tpu.vector_store_idx %arg9[%scan3A_453], %min3A_460 masked %scan3A_454 : memref<50048xf32, #tpu.memory_space<vmem>>[vector<16xi32>], vector<16xf32>, vector<16xi1>
        %gather3A_461 = tpu.vector_load_idx %arg9[%scan3A_456] masked %scan3A_457 : memref<50048xf32, #tpu.memory_space<vmem>>[vector<16xi32>], vector<16xf32>, vector<16xi1>
        %min3A_462 = arith.minimumf %gather3A_461, %scan3A_458 : vector<16xf32>
        tpu.vector_store_idx %arg9[%scan3A_456], %min3A_462 masked %scan3A_457 : memref<50048xf32, #tpu.memory_space<vmem>>[vector<16xi32>], vector<16xf32>, vector<16xi1>
        %mul3A_463 = arith.constant 2 : i32
        %mul3A_464 = arith.muli %scan3A_452, %mul3A_463 : i32
        %add3A_465 = arith.constant 2 : i32
        %add3A_466 = arith.addi %mul3A_464, %add3A_465 : i32
        %mul3A_467 = arith.constant 4 : i32
        %mul3A_468 = arith.muli %add3A_466, %mul3A_467 : i32
        %add3A_469 = vector.broadcast %mul3A_468 : i32 to vector<16xi32>
        %add3A_470 = arith.addi %add3A_469, %shift_right_logical3A_1 : vector<16xi32>
        %gather3A_471 = tpu.vector_load_idx %arg6[%add3A_470] : memref<4112xi32, #tpu.memory_space<vmem>>[vector<16xi32>], vector<16xi32>,
        %ge3A_472 = vector.broadcast %mul3A_9 : i32 to vector<16xi32>
        %ge3A_473 = arith.cmpi sge, %gather3A_471, %ge3A_472 : vector<16xi32>
        %lt3A_474 = vector.broadcast %add3A_11 : i32 to vector<16xi32>
        %lt3A_475 = arith.cmpi slt, %gather3A_471, %lt3A_474 : vector<16xi32>
        %and3A_476 = arith.andi %ge3A_473, %lt3A_475 : vector<16xi1>
        %sub3A_477 = vector.broadcast %mul3A_9 : i32 to vector<16xi32>
        %sub3A_478 = arith.subi %gather3A_471, %sub3A_477 : vector<16xi32>
        %mul3A_479 = arith.constant 4 : i32
        %mul3A_480 = vector.broadcast %mul3A_479 : i32 to vector<16xi32>
        %mul3A_481 = arith.muli %sub3A_478, %mul3A_480 : vector<16xi32>
        %add3A_482 = arith.addi %mul3A_481, %and3A_3 : vector<16xi32>
        %jit3A_483 = arith.constant 0 : i32
        %jit3A_484 = arith.constant 12511 : i32
        %max3A_485 = vector.broadcast %jit3A_483 : i32 to vector<16xi32>
        %max3A_486 = arith.maxsi %max3A_485, %add3A_482 : vector<16xi32>
        %min3A_487 = vector.broadcast %jit3A_484 : i32 to vector<16xi32>
        %min3A_488 = arith.minsi %min3A_487, %max3A_486 : vector<16xi32>
        %add3A_489 = arith.addi %min3A_488, %mul3A_5 : vector<16xi32>
        %shift_right_logical3A_490 = arith.constant 5 : i32
        %shift_right_logical3A_491 = arith.shrui %add3A_466, %shift_right_logical3A_490 : i32
        %broadcast_in_dim3A_492 = vector.broadcast %shift_right_logical3A_491 : i32 to vector<16xi32>
        %and3A_493 = arith.constant 31 : i32
        %and3A_494 = arith.andi %add3A_466, %and3A_493 : i32
        %mul3A_495 = arith.constant 4 : i32
        %mul3A_496 = arith.muli %and3A_494, %mul3A_495 : i32
        %add3A_497 = vector.broadcast %mul3A_496 : i32 to vector<16xi32>
        %add3A_498 = arith.addi %add3A_497, %shift_right_logical3A_1 : vector<16xi32>
        %gather3A_499 = tpu.vector_load_idx %arg5[%broadcast_in_dim3A_492, %and3A_3, %add3A_498] : memref<33x4x128xf32, #tpu.memory_space<vmem>>[vector<16xi32>, vector<16xi32>, vector<16xi32>], vector<16xf32>,
        %mul3A_500 = arith.constant 2 : i32
        %mul3A_501 = arith.muli %scan3A_452, %mul3A_500 : i32
        %add3A_502 = arith.constant 3 : i32
        %add3A_503 = arith.addi %mul3A_501, %add3A_502 : i32
        %mul3A_504 = arith.constant 4 : i32
        %mul3A_505 = arith.muli %add3A_503, %mul3A_504 : i32
        %add3A_506 = vector.broadcast %mul3A_505 : i32 to vector<16xi32>
        %add3A_507 = arith.addi %add3A_506, %shift_right_logical3A_1 : vector<16xi32>
        %gather3A_508 = tpu.vector_load_idx %arg6[%add3A_507] : memref<4112xi32, #tpu.memory_space<vmem>>[vector<16xi32>], vector<16xi32>,
        %ge3A_509 = vector.broadcast %mul3A_9 : i32 to vector<16xi32>
        %ge3A_510 = arith.cmpi sge, %gather3A_508, %ge3A_509 : vector<16xi32>
        %lt3A_511 = vector.broadcast %add3A_11 : i32 to vector<16xi32>
        %lt3A_512 = arith.cmpi slt, %gather3A_508, %lt3A_511 : vector<16xi32>
        %and3A_513 = arith.andi %ge3A_510, %lt3A_512 : vector<16xi1>
        %sub3A_514 = vector.broadcast %mul3A_9 : i32 to vector<16xi32>
        %sub3A_515 = arith.subi %gather3A_508, %sub3A_514 : vector<16xi32>
        %mul3A_516 = arith.constant 4 : i32
        %mul3A_517 = vector.broadcast %mul3A_516 : i32 to vector<16xi32>
        %mul3A_518 = arith.muli %sub3A_515, %mul3A_517 : vector<16xi32>
        %add3A_519 = arith.addi %mul3A_518, %and3A_3 : vector<16xi32>
        %jit3A_520 = arith.constant 0 : i32
        %jit3A_521 = arith.constant 12511 : i32
        %max3A_522 = vector.broadcast %jit3A_520 : i32 to vector<16xi32>
        %max3A_523 = arith.maxsi %max3A_522, %add3A_519 : vector<16xi32>
        %min3A_524 = vector.broadcast %jit3A_521 : i32 to vector<16xi32>
        %min3A_525 = arith.minsi %min3A_524, %max3A_523 : vector<16xi32>
        %add3A_526 = arith.addi %min3A_525, %mul3A_5 : vector<16xi32>
        %shift_right_logical3A_527 = arith.constant 5 : i32
        %shift_right_logical3A_528 = arith.shrui %add3A_503, %shift_right_logical3A_527 : i32
        %broadcast_in_dim3A_529 = vector.broadcast %shift_right_logical3A_528 : i32 to vector<16xi32>
        %and3A_530 = arith.constant 31 : i32
        %and3A_531 = arith.andi %add3A_503, %and3A_530 : i32
        %mul3A_532 = arith.constant 4 : i32
        %mul3A_533 = arith.muli %and3A_531, %mul3A_532 : i32
        %add3A_534 = vector.broadcast %mul3A_533 : i32 to vector<16xi32>
        %add3A_535 = arith.addi %add3A_534, %shift_right_logical3A_1 : vector<16xi32>
        %gather3A_536 = tpu.vector_load_idx %arg5[%broadcast_in_dim3A_529, %and3A_3, %add3A_535] : memref<33x4x128xf32, #tpu.memory_space<vmem>>[vector<16xi32>, vector<16xi32>, vector<16xi32>], vector<16xf32>,
        scf.yield %add3A_489, %and3A_476, %gather3A_499, %add3A_526, %and3A_513, %gather3A_536 : vector<16xi32>, vector<16xi1>, vector<16xf32>, vector<16xi32>, vector<16xi1>, vector<16xf32>
      }
      %scan3A_284 = arith.constant 512 : i32
      %mul3A_285 = arith.constant 2 : i32
      %mul3A_286 = arith.muli %mul3A_285, %while3A_186 : i32
      %add3A_287 = arith.constant 2 : i32
      %add3A_288 = arith.addi %mul3A_286, %add3A_287 : i32
      %mul3A_289 = arith.constant 4096 : i32
      %mul3A_290 = arith.muli %add3A_288, %mul3A_289 : i32
      %add3A_291 = arith.addi %and3A_23, %mul3A_290 : i32
      %min3A_292 = arith.constant 3195904 : i32
      %min3A_293 = arith.minsi %add3A_291, %min3A_292 : i32
      %multiple_of3A_294 = tpu.assume_multiple %min3A_293, 128 : i32
      %dma_start3A_295 = arith.constant 0 : i32
      %dma_start3A_296 = tpu.memref_slice %arg6[%dma_start3A_295] : memref<4112xi32, #tpu.memory_space<vmem>> -> memref<4096xi32, #tpu.memory_space<vmem>>
      %dma_start3A_297 = tpu.memref_slice %arg3[%multiple_of3A_294] : memref<3200000xi32, #tpu.memory_space<hbm>> -> memref<4096xi32, #tpu.memory_space<hbm>>
      %dma_start3A_298 = arith.constant 0 : i32
      %dma_start3A_299 = tpu.memref_slice %arg6[%dma_start3A_298] : memref<4112xi32, #tpu.memory_space<vmem>> -> memref<4096xi32, #tpu.memory_space<vmem>>
      %dma_start3A_300 = tpu.memref_slice %arg3[%multiple_of3A_294] : memref<3200000xi32, #tpu.memory_space<hbm>> -> memref<4096xi32, #tpu.memory_space<hbm>>
      tpu.enqueue_dma source(%dma_start3A_300 : memref<4096xi32, #tpu.memory_space<hbm>>) target(%dma_start3A_299 : memref<4096xi32, #tpu.memory_space<vmem>>) target_semaphore(%arg11 : memref<!tpu.dma_semaphore, #tpu.memory_space<semaphore_mem>>)
      %shift_right_logical3A_301 = arith.constant 7 : i32
      %shift_right_logical3A_302 = arith.shrui %multiple_of3A_294, %shift_right_logical3A_301 : i32
      %dma_start3A_303 = arith.constant 0 : i32
      %dma_start3A_304 = arith.constant 0 : i32
      %dma_start3A_305 = arith.constant 0 : i32
      %dma_start3A_306 = tpu.memref_slice %arg5[%dma_start3A_303, %dma_start3A_304, %dma_start3A_305] : memref<33x4x128xf32, #tpu.memory_space<vmem>> -> memref<32x4x128xf32, #tpu.memory_space<vmem>>
      %dma_start3A_307 = arith.constant 0 : i32
      %dma_start3A_308 = arith.constant 0 : i32
      %dma_start3A_309 = tpu.memref_slice %arg2[%shift_right_logical3A_302, %dma_start3A_307, %dma_start3A_308] : memref<25000x4x128xf32, #tpu.memory_space<hbm>> -> memref<32x4x128xf32, #tpu.memory_space<hbm>>
      %dma_start3A_310 = arith.constant 0 : i32
      %dma_start3A_311 = arith.constant 0 : i32
      %dma_start3A_312 = arith.constant 0 : i32
      %dma_start3A_313 = tpu.memref_slice %arg5[%dma_start3A_310, %dma_start3A_311, %dma_start3A_312] : memref<33x4x128xf32, #tpu.memory_space<vmem>> -> memref<32x4x128xf32, #tpu.memory_space<vmem>>
      %dma_start3A_314 = arith.constant 0 : i32
      %dma_start3A_315 = arith.constant 0 : i32
      %dma_start3A_316 = tpu.memref_slice %arg2[%shift_right_logical3A_302, %dma_start3A_314, %dma_start3A_315] : memref<25000x4x128xf32, #tpu.memory_space<hbm>> -> memref<32x4x128xf32, #tpu.memory_space<hbm>>
      tpu.enqueue_dma source(%dma_start3A_316 : memref<32x4x128xf32, #tpu.memory_space<hbm>>) target(%dma_start3A_313 : memref<32x4x128xf32, #tpu.memory_space<vmem>>) target_semaphore(%arg11 : memref<!tpu.dma_semaphore, #tpu.memory_space<semaphore_mem>>)
      %dma_wait3A_317 = arith.constant 0 : i32
      %dma_wait3A_318 = tpu.memref_slice %arg8[%dma_wait3A_317] : memref<4112xi32, #tpu.memory_space<vmem>> -> memref<4096xi32, #tpu.memory_space<vmem>>
      %dma_wait3A_319 = arith.constant 0 : i32
      %dma_wait3A_320 = tpu.memref_slice %arg3[%dma_wait3A_319] : memref<3200000xi32, #tpu.memory_space<hbm>> -> memref<4096xi32, #tpu.memory_space<hbm>>
      %dma_wait3A_321 = arith.constant 0 : i32
      %dma_wait3A_322 = tpu.memref_slice %arg8[%dma_wait3A_321] : memref<4112xi32, #tpu.memory_space<vmem>> -> memref<4096xi32, #tpu.memory_space<vmem>>
      %dma_wait3A_323 = arith.constant 0 : i32
      %dma_wait3A_324 = tpu.memref_slice %arg3[%dma_wait3A_323] : memref<3200000xi32, #tpu.memory_space<hbm>> -> memref<4096xi32, #tpu.memory_space<hbm>>
      tpu.wait_dma2 semaphore(%arg12 : memref<!tpu.dma_semaphore, #tpu.memory_space<semaphore_mem>>) src(%dma_wait3A_324 : memref<4096xi32, #tpu.memory_space<hbm>>) dst(%dma_wait3A_322 : memref<4096xi32, #tpu.memory_space<vmem>>)
      %dma_wait3A_325 = arith.constant 0 : i32
      %dma_wait3A_326 = arith.constant 0 : i32
      %dma_wait3A_327 = arith.constant 0 : i32
      %dma_wait3A_328 = tpu.memref_slice %arg7[%dma_wait3A_325, %dma_wait3A_326, %dma_wait3A_327] : memref<33x4x128xf32, #tpu.memory_space<vmem>> -> memref<32x4x128xf32, #tpu.memory_space<vmem>>
      %dma_wait3A_329 = arith.constant 0 : i32
      %dma_wait3A_330 = arith.constant 0 : i32
      %dma_wait3A_331 = arith.constant 0 : i32
      %dma_wait3A_332 = tpu.memref_slice %arg2[%dma_wait3A_329, %dma_wait3A_330, %dma_wait3A_331] : memref<25000x4x128xf32, #tpu.memory_space<hbm>> -> memref<32x4x128xf32, #tpu.memory_space<hbm>>
      %dma_wait3A_333 = arith.constant 0 : i32
      %dma_wait3A_334 = arith.constant 0 : i32
      %dma_wait3A_335 = arith.constant 0 : i32
      %dma_wait3A_336 = tpu.memref_slice %arg7[%dma_wait3A_333, %dma_wait3A_334, %dma_wait3A_335] : memref<33x4x128xf32, #tpu.memory_space<vmem>> -> memref<32x4x128xf32, #tpu.memory_space<vmem>>
      %dma_wait3A_337 = arith.constant 0 : i32
      %dma_wait3A_338 = arith.constant 0 : i32
      %dma_wait3A_339 = arith.constant 0 : i32
      %dma_wait3A_340 = tpu.memref_slice %arg2[%dma_wait3A_337, %dma_wait3A_338, %dma_wait3A_339] : memref<25000x4x128xf32, #tpu.memory_space<hbm>> -> memref<32x4x128xf32, #tpu.memory_space<hbm>>
      tpu.wait_dma2 semaphore(%arg12 : memref<!tpu.dma_semaphore, #tpu.memory_space<semaphore_mem>>) src(%dma_wait3A_340 : memref<32x4x128xf32, #tpu.memory_space<hbm>>) dst(%dma_wait3A_336 : memref<32x4x128xf32, #tpu.memory_space<vmem>>)
      %mul3A_341 = arith.constant 0 : i32
      %mul3A_342 = arith.constant 4 : i32
      %mul3A_343 = arith.muli %mul3A_341, %mul3A_342 : i32
      %add3A_344 = vector.broadcast %mul3A_343 : i32 to vector<16xi32>
      %add3A_345 = arith.addi %add3A_344, %shift_right_logical3A_1 : vector<16xi32>
      %gather3A_346 = tpu.vector_load_idx %arg8[%add3A_345] : memref<4112xi32, #tpu.memory_space<vmem>>[vector<16xi32>], vector<16xi32>,
      %ge3A_347 = vector.broadcast %mul3A_9 : i32 to vector<16xi32>
      %ge3A_348 = arith.cmpi sge, %gather3A_346, %ge3A_347 : vector<16xi32>
      %lt3A_349 = vector.broadcast %add3A_11 : i32 to vector<16xi32>
      %lt3A_350 = arith.cmpi slt, %gather3A_346, %lt3A_349 : vector<16xi32>
      %and3A_351 = arith.andi %ge3A_348, %lt3A_350 : vector<16xi1>
      %sub3A_352 = vector.broadcast %mul3A_9 : i32 to vector<16xi32>
      %sub3A_353 = arith.subi %gather3A_346, %sub3A_352 : vector<16xi32>
      %mul3A_354 = arith.constant 4 : i32
      %mul3A_355 = vector.broadcast %mul3A_354 : i32 to vector<16xi32>
      %mul3A_356 = arith.muli %sub3A_353, %mul3A_355 : vector<16xi32>
      %add3A_357 = arith.addi %mul3A_356, %and3A_3 : vector<16xi32>
      %jit3A_358 = arith.constant 0 : i32
      %jit3A_359 = arith.constant 12511 : i32
      %max3A_360 = vector.broadcast %jit3A_358 : i32 to vector<16xi32>
      %max3A_361 = arith.maxsi %max3A_360, %add3A_357 : vector<16xi32>
      %min3A_362 = vector.broadcast %jit3A_359 : i32 to vector<16xi32>
      %min3A_363 = arith.minsi %min3A_362, %max3A_361 : vector<16xi32>
      %add3A_364 = arith.addi %min3A_363, %mul3A_5 : vector<16xi32>
      %shift_right_logical3A_365 = arith.constant 0 : i32
      %shift_right_logical3A_366 = arith.constant 5 : i32
      %shift_right_logical3A_367 = arith.shrui %shift_right_logical3A_365, %shift_right_logical3A_366 : i32
      %broadcast_in_dim3A_368 = vector.broadcast %shift_right_logical3A_367 : i32 to vector<16xi32>
      %and3A_369 = arith.constant 0 : i32
      %and3A_370 = arith.constant 31 : i32
      %and3A_371 = arith.andi %and3A_369, %and3A_370 : i32
      %mul3A_372 = arith.constant 4 : i32
      %mul3A_373 = arith.muli %and3A_371, %mul3A_372 : i32
      %add3A_374 = vector.broadcast %mul3A_373 : i32 to vector<16xi32>
      %add3A_375 = arith.addi %add3A_374, %shift_right_logical3A_1 : vector<16xi32>
      %gather3A_376 = tpu.vector_load_idx %arg7[%broadcast_in_dim3A_368, %and3A_3, %add3A_375] : memref<33x4x128xf32, #tpu.memory_space<vmem>>[vector<16xi32>, vector<16xi32>, vector<16xi32>], vector<16xf32>,
      %mul3A_377 = arith.constant 1 : i32
      %mul3A_378 = arith.constant 4 : i32
      %mul3A_379 = arith.muli %mul3A_377, %mul3A_378 : i32
      %add3A_380 = vector.broadcast %mul3A_379 : i32 to vector<16xi32>
      %add3A_381 = arith.addi %add3A_380, %shift_right_logical3A_1 : vector<16xi32>
      %gather3A_382 = tpu.vector_load_idx %arg8[%add3A_381] : memref<4112xi32, #tpu.memory_space<vmem>>[vector<16xi32>], vector<16xi32>,
      %ge3A_383 = vector.broadcast %mul3A_9 : i32 to vector<16xi32>
      %ge3A_384 = arith.cmpi sge, %gather3A_382, %ge3A_383 : vector<16xi32>
      %lt3A_385 = vector.broadcast %add3A_11 : i32 to vector<16xi32>
      %lt3A_386 = arith.cmpi slt, %gather3A_382, %lt3A_385 : vector<16xi32>
      %and3A_387 = arith.andi %ge3A_384, %lt3A_386 : vector<16xi1>
      %sub3A_388 = vector.broadcast %mul3A_9 : i32 to vector<16xi32>
      %sub3A_389 = arith.subi %gather3A_382, %sub3A_388 : vector<16xi32>
      %mul3A_390 = arith.constant 4 : i32
      %mul3A_391 = vector.broadcast %mul3A_390 : i32 to vector<16xi32>
      %mul3A_392 = arith.muli %sub3A_389, %mul3A_391 : vector<16xi32>
      %add3A_393 = arith.addi %mul3A_392, %and3A_3 : vector<16xi32>
      %jit3A_394 = arith.constant 0 : i32
      %jit3A_395 = arith.constant 12511 : i32
      %max3A_396 = vector.broadcast %jit3A_394 : i32 to vector<16xi32>
      %max3A_397 = arith.maxsi %max3A_396, %add3A_393 : vector<16xi32>
      %min3A_398 = vector.broadcast %jit3A_395 : i32 to vector<16xi32>
      %min3A_399 = arith.minsi %min3A_398, %max3A_397 : vector<16xi32>
      %add3A_400 = arith.addi %min3A_399, %mul3A_5 : vector<16xi32>
      %shift_right_logical3A_401 = arith.constant 1 : i32
      %shift_right_logical3A_402 = arith.constant 5 : i32
      %shift_right_logical3A_403 = arith.shrui %shift_right_logical3A_401, %shift_right_logical3A_402 : i32
      %broadcast_in_dim3A_404 = vector.broadcast %shift_right_logical3A_403 : i32 to vector<16xi32>
      %and3A_405 = arith.constant 1 : i32
      %and3A_406 = arith.constant 31 : i32
      %and3A_407 = arith.andi %and3A_405, %and3A_406 : i32
      %mul3A_408 = arith.constant 4 : i32
      %mul3A_409 = arith.muli %and3A_407, %mul3A_408 : i32
      %add3A_410 = vector.broadcast %mul3A_409 : i32 to vector<16xi32>
      %add3A_411 = arith.addi %add3A_410, %shift_right_logical3A_1 : vector<16xi32>
      %gather3A_412 = tpu.vector_load_idx %arg7[%broadcast_in_dim3A_404, %and3A_3, %add3A_411] : memref<33x4x128xf32, #tpu.memory_space<vmem>>[vector<16xi32>, vector<16xi32>, vector<16xi32>], vector<16xf32>,
      %scan3A_413 = arith.constant 0 : i32
      %scan3A_414 = arith.constant 512 : i32
      %scan3A_415 = arith.addi %scan3A_413, %scan3A_414 : i32
      %scan3A_416 = arith.constant 1 : i32
      %scan3A_417:6 = scf.for %scan3A_452 = %scan3A_413 to %scan3A_415 step %scan3A_416 iter_args(%scan3A_453 = %add3A_364, %scan3A_454 = %and3A_351, %scan3A_455 = %gather3A_376, %scan3A_456 = %add3A_400, %scan3A_457 = %and3A_387, %scan3A_458 = %gather3A_412) -> (vector<16xi32>, vector<16xi1>, vector<16xf32>, vector<16xi32>, vector<16xi1>, vector<16xf32>)  : i32 {
        %gather3A_459 = tpu.vector_load_idx %arg9[%scan3A_453] masked %scan3A_454 : memref<50048xf32, #tpu.memory_space<vmem>>[vector<16xi32>], vector<16xf32>, vector<16xi1>
        %min3A_460 = arith.minimumf %gather3A_459, %scan3A_455 : vector<16xf32>
        tpu.vector_store_idx %arg9[%scan3A_453], %min3A_460 masked %scan3A_454 : memref<50048xf32, #tpu.memory_space<vmem>>[vector<16xi32>], vector<16xf32>, vector<16xi1>
        %gather3A_461 = tpu.vector_load_idx %arg9[%scan3A_456] masked %scan3A_457 : memref<50048xf32, #tpu.memory_space<vmem>>[vector<16xi32>], vector<16xf32>, vector<16xi1>
        %min3A_462 = arith.minimumf %gather3A_461, %scan3A_458 : vector<16xf32>
        tpu.vector_store_idx %arg9[%scan3A_456], %min3A_462 masked %scan3A_457 : memref<50048xf32, #tpu.memory_space<vmem>>[vector<16xi32>], vector<16xf32>, vector<16xi1>
        %mul3A_463 = arith.constant 2 : i32
        %mul3A_464 = arith.muli %scan3A_452, %mul3A_463 : i32
        %add3A_465 = arith.constant 2 : i32
        %add3A_466 = arith.addi %mul3A_464, %add3A_465 : i32
        %mul3A_467 = arith.constant 4 : i32
        %mul3A_468 = arith.muli %add3A_466, %mul3A_467 : i32
        %add3A_469 = vector.broadcast %mul3A_468 : i32 to vector<16xi32>
        %add3A_470 = arith.addi %add3A_469, %shift_right_logical3A_1 : vector<16xi32>
        %gather3A_471 = tpu.vector_load_idx %arg8[%add3A_470] : memref<4112xi32, #tpu.memory_space<vmem>>[vector<16xi32>], vector<16xi32>,
        %ge3A_472 = vector.broadcast %mul3A_9 : i32 to vector<16xi32>
        %ge3A_473 = arith.cmpi sge, %gather3A_471, %ge3A_472 : vector<16xi32>
        %lt3A_474 = vector.broadcast %add3A_11 : i32 to vector<16xi32>
        %lt3A_475 = arith.cmpi slt, %gather3A_471, %lt3A_474 : vector<16xi32>
        %and3A_476 = arith.andi %ge3A_473, %lt3A_475 : vector<16xi1>
        %sub3A_477 = vector.broadcast %mul3A_9 : i32 to vector<16xi32>
        %sub3A_478 = arith.subi %gather3A_471, %sub3A_477 : vector<16xi32>
        %mul3A_479 = arith.constant 4 : i32
        %mul3A_480 = vector.broadcast %mul3A_479 : i32 to vector<16xi32>
        %mul3A_481 = arith.muli %sub3A_478, %mul3A_480 : vector<16xi32>
        %add3A_482 = arith.addi %mul3A_481, %and3A_3 : vector<16xi32>
        %jit3A_483 = arith.constant 0 : i32
        %jit3A_484 = arith.constant 12511 : i32
        %max3A_485 = vector.broadcast %jit3A_483 : i32 to vector<16xi32>
        %max3A_486 = arith.maxsi %max3A_485, %add3A_482 : vector<16xi32>
        %min3A_487 = vector.broadcast %jit3A_484 : i32 to vector<16xi32>
        %min3A_488 = arith.minsi %min3A_487, %max3A_486 : vector<16xi32>
        %add3A_489 = arith.addi %min3A_488, %mul3A_5 : vector<16xi32>
        %shift_right_logical3A_490 = arith.constant 5 : i32
        %shift_right_logical3A_491 = arith.shrui %add3A_466, %shift_right_logical3A_490 : i32
        %broadcast_in_dim3A_492 = vector.broadcast %shift_right_logical3A_491 : i32 to vector<16xi32>
        %and3A_493 = arith.constant 31 : i32
        %and3A_494 = arith.andi %add3A_466, %and3A_493 : i32
        %mul3A_495 = arith.constant 4 : i32
        %mul3A_496 = arith.muli %and3A_494, %mul3A_495 : i32
        %add3A_497 = vector.broadcast %mul3A_496 : i32 to vector<16xi32>
        %add3A_498 = arith.addi %add3A_497, %shift_right_logical3A_1 : vector<16xi32>
        %gather3A_499 = tpu.vector_load_idx %arg7[%broadcast_in_dim3A_492, %and3A_3, %add3A_498] : memref<33x4x128xf32, #tpu.memory_space<vmem>>[vector<16xi32>, vector<16xi32>, vector<16xi32>], vector<16xf32>,
        %mul3A_500 = arith.constant 2 : i32
        %mul3A_501 = arith.muli %scan3A_452, %mul3A_500 : i32
        %add3A_502 = arith.constant 3 : i32
        %add3A_503 = arith.addi %mul3A_501, %add3A_502 : i32
        %mul3A_504 = arith.constant 4 : i32
        %mul3A_505 = arith.muli %add3A_503, %mul3A_504 : i32
        %add3A_506 = vector.broadcast %mul3A_505 : i32 to vector<16xi32>
        %add3A_507 = arith.addi %add3A_506, %shift_right_logical3A_1 : vector<16xi32>
        %gather3A_508 = tpu.vector_load_idx %arg8[%add3A_507] : memref<4112xi32, #tpu.memory_space<vmem>>[vector<16xi32>], vector<16xi32>,
        %ge3A_509 = vector.broadcast %mul3A_9 : i32 to vector<16xi32>
        %ge3A_510 = arith.cmpi sge, %gather3A_508, %ge3A_509 : vector<16xi32>
        %lt3A_511 = vector.broadcast %add3A_11 : i32 to vector<16xi32>
        %lt3A_512 = arith.cmpi slt, %gather3A_508, %lt3A_511 : vector<16xi32>
        %and3A_513 = arith.andi %ge3A_510, %lt3A_512 : vector<16xi1>
        %sub3A_514 = vector.broadcast %mul3A_9 : i32 to vector<16xi32>
        %sub3A_515 = arith.subi %gather3A_508, %sub3A_514 : vector<16xi32>
        %mul3A_516 = arith.constant 4 : i32
        %mul3A_517 = vector.broadcast %mul3A_516 : i32 to vector<16xi32>
        %mul3A_518 = arith.muli %sub3A_515, %mul3A_517 : vector<16xi32>
        %add3A_519 = arith.addi %mul3A_518, %and3A_3 : vector<16xi32>
        %jit3A_520 = arith.constant 0 : i32
        %jit3A_521 = arith.constant 12511 : i32
        %max3A_522 = vector.broadcast %jit3A_520 : i32 to vector<16xi32>
        %max3A_523 = arith.maxsi %max3A_522, %add3A_519 : vector<16xi32>
        %min3A_524 = vector.broadcast %jit3A_521 : i32 to vector<16xi32>
        %min3A_525 = arith.minsi %min3A_524, %max3A_523 : vector<16xi32>
        %add3A_526 = arith.addi %min3A_525, %mul3A_5 : vector<16xi32>
        %shift_right_logical3A_527 = arith.constant 5 : i32
        %shift_right_logical3A_528 = arith.shrui %add3A_503, %shift_right_logical3A_527 : i32
        %broadcast_in_dim3A_529 = vector.broadcast %shift_right_logical3A_528 : i32 to vector<16xi32>
        %and3A_530 = arith.constant 31 : i32
        %and3A_531 = arith.andi %add3A_503, %and3A_530 : i32
        %mul3A_532 = arith.constant 4 : i32
        %mul3A_533 = arith.muli %and3A_531, %mul3A_532 : i32
        %add3A_534 = vector.broadcast %mul3A_533 : i32 to vector<16xi32>
        %add3A_535 = arith.addi %add3A_534, %shift_right_logical3A_1 : vector<16xi32>
        %gather3A_536 = tpu.vector_load_idx %arg7[%broadcast_in_dim3A_529, %and3A_3, %add3A_535] : memref<33x4x128xf32, #tpu.memory_space<vmem>>[vector<16xi32>, vector<16xi32>, vector<16xi32>], vector<16xf32>,
        scf.yield %add3A_489, %and3A_476, %gather3A_499, %add3A_526, %and3A_513, %gather3A_536 : vector<16xi32>, vector<16xi1>, vector<16xf32>, vector<16xi32>, vector<16xi1>, vector<16xf32>
      }
      %scan3A_418 = arith.constant 512 : i32
      %mul3A_419 = arith.constant 2 : i32
      %mul3A_420 = arith.muli %mul3A_419, %while3A_186 : i32
      %add3A_421 = arith.constant 3 : i32
      %add3A_422 = arith.addi %mul3A_420, %add3A_421 : i32
      %mul3A_423 = arith.constant 4096 : i32
      %mul3A_424 = arith.muli %add3A_422, %mul3A_423 : i32
      %add3A_425 = arith.addi %and3A_23, %mul3A_424 : i32
      %min3A_426 = arith.constant 3195904 : i32
      %min3A_427 = arith.minsi %add3A_425, %min3A_426 : i32
      %multiple_of3A_428 = tpu.assume_multiple %min3A_427, 128 : i32
      %dma_start3A_429 = arith.constant 0 : i32
      %dma_start3A_430 = tpu.memref_slice %arg8[%dma_start3A_429] : memref<4112xi32, #tpu.memory_space<vmem>> -> memref<4096xi32, #tpu.memory_space<vmem>>
      %dma_start3A_431 = tpu.memref_slice %arg3[%multiple_of3A_428] : memref<3200000xi32, #tpu.memory_space<hbm>> -> memref<4096xi32, #tpu.memory_space<hbm>>
      %dma_start3A_432 = arith.constant 0 : i32
      %dma_start3A_433 = tpu.memref_slice %arg8[%dma_start3A_432] : memref<4112xi32, #tpu.memory_space<vmem>> -> memref<4096xi32, #tpu.memory_space<vmem>>
      %dma_start3A_434 = tpu.memref_slice %arg3[%multiple_of3A_428] : memref<3200000xi32, #tpu.memory_space<hbm>> -> memref<4096xi32, #tpu.memory_space<hbm>>
      tpu.enqueue_dma source(%dma_start3A_434 : memref<4096xi32, #tpu.memory_space<hbm>>) target(%dma_start3A_433 : memref<4096xi32, #tpu.memory_space<vmem>>) target_semaphore(%arg12 : memref<!tpu.dma_semaphore, #tpu.memory_space<semaphore_mem>>)
      %shift_right_logical3A_435 = arith.constant 7 : i32
      %shift_right_logical3A_436 = arith.shrui %multiple_of3A_428, %shift_right_logical3A_435 : i32
      %dma_start3A_437 = arith.constant 0 : i32
      %dma_start3A_438 = arith.constant 0 : i32
      %dma_start3A_439 = arith.constant 0 : i32
      %dma_start3A_440 = tpu.memref_slice %arg7[%dma_start3A_437, %dma_start3A_438, %dma_start3A_439] : memref<33x4x128xf32, #tpu.memory_space<vmem>> -> memref<32x4x128xf32, #tpu.memory_space<vmem>>
      %dma_start3A_441 = arith.constant 0 : i32
      %dma_start3A_442 = arith.constant 0 : i32
      %dma_start3A_443 = tpu.memref_slice %arg2[%shift_right_logical3A_436, %dma_start3A_441, %dma_start3A_442] : memref<25000x4x128xf32, #tpu.memory_space<hbm>> -> memref<32x4x128xf32, #tpu.memory_space<hbm>>
      %dma_start3A_444 = arith.constant 0 : i32
      %dma_start3A_445 = arith.constant 0 : i32
      %dma_start3A_446 = arith.constant 0 : i32
      %dma_start3A_447 = tpu.memref_slice %arg7[%dma_start3A_444, %dma_start3A_445, %dma_start3A_446] : memref<33x4x128xf32, #tpu.memory_space<vmem>> -> memref<32x4x128xf32, #tpu.memory_space<vmem>>
      %dma_start3A_448 = arith.constant 0 : i32
      %dma_start3A_449 = arith.constant 0 : i32
      %dma_start3A_450 = tpu.memref_slice %arg2[%shift_right_logical3A_436, %dma_start3A_448, %dma_start3A_449] : memref<25000x4x128xf32, #tpu.memory_space<hbm>> -> memref<32x4x128xf32, #tpu.memory_space<hbm>>
      tpu.enqueue_dma source(%dma_start3A_450 : memref<32x4x128xf32, #tpu.memory_space<hbm>>) target(%dma_start3A_447 : memref<32x4x128xf32, #tpu.memory_space<vmem>>) target_semaphore(%arg12 : memref<!tpu.dma_semaphore, #tpu.memory_space<semaphore_mem>>)
      %while3A_451 = arith.constant 0 : i32
      scf.yield %while3A_451 : i32
    }
    %while3A_115 = arith.constant 1 : i32
    %while3A_116 = scf.for %while3A_186 = %while3A_112 to %while3A_108 step %while3A_115 iter_args(%while3A_187 = %while3A_114) -> (i32)  : i32 {
      %dma_wait3A_188 = arith.constant 0 : i32
      %dma_wait3A_189 = tpu.memref_slice %arg6[%dma_wait3A_188] : memref<4112xi32, #tpu.memory_space<vmem>> -> memref<4096xi32, #tpu.memory_space<vmem>>
      %dma_wait3A_190 = arith.constant 0 : i32
      %dma_wait3A_191 = tpu.memref_slice %arg3[%dma_wait3A_190] : memref<3200000xi32, #tpu.memory_space<hbm>> -> memref<4096xi32, #tpu.memory_space<hbm>>
      %dma_wait3A_192 = arith.constant 0 : i32
      %dma_wait3A_193 = tpu.memref_slice %arg6[%dma_wait3A_192] : memref<4112xi32, #tpu.memory_space<vmem>> -> memref<4096xi32, #tpu.memory_space<vmem>>
      %dma_wait3A_194 = arith.constant 0 : i32
      %dma_wait3A_195 = tpu.memref_slice %arg3[%dma_wait3A_194] : memref<3200000xi32, #tpu.memory_space<hbm>> -> memref<4096xi32, #tpu.memory_space<hbm>>
      tpu.wait_dma2 semaphore(%arg11 : memref<!tpu.dma_semaphore, #tpu.memory_space<semaphore_mem>>) src(%dma_wait3A_195 : memref<4096xi32, #tpu.memory_space<hbm>>) dst(%dma_wait3A_193 : memref<4096xi32, #tpu.memory_space<vmem>>)
      %dma_wait3A_196 = arith.constant 0 : i32
      %dma_wait3A_197 = arith.constant 0 : i32
      %dma_wait3A_198 = arith.constant 0 : i32
      %dma_wait3A_199 = tpu.memref_slice %arg5[%dma_wait3A_196, %dma_wait3A_197, %dma_wait3A_198] : memref<33x4x128xf32, #tpu.memory_space<vmem>> -> memref<32x4x128xf32, #tpu.memory_space<vmem>>
      %dma_wait3A_200 = arith.constant 0 : i32
      %dma_wait3A_201 = arith.constant 0 : i32
      %dma_wait3A_202 = arith.constant 0 : i32
      %dma_wait3A_203 = tpu.memref_slice %arg2[%dma_wait3A_200, %dma_wait3A_201, %dma_wait3A_202] : memref<25000x4x128xf32, #tpu.memory_space<hbm>> -> memref<32x4x128xf32, #tpu.memory_space<hbm>>
      %dma_wait3A_204 = arith.constant 0 : i32
      %dma_wait3A_205 = arith.constant 0 : i32
      %dma_wait3A_206 = arith.constant 0 : i32
      %dma_wait3A_207 = tpu.memref_slice %arg5[%dma_wait3A_204, %dma_wait3A_205, %dma_wait3A_206] : memref<33x4x128xf32, #tpu.memory_space<vmem>> -> memref<32x4x128xf32, #tpu.memory_space<vmem>>
      %dma_wait3A_208 = arith.constant 0 : i32
      %dma_wait3A_209 = arith.constant 0 : i32
      %dma_wait3A_210 = arith.constant 0 : i32
      %dma_wait3A_211 = tpu.memref_slice %arg2[%dma_wait3A_208, %dma_wait3A_209, %dma_wait3A_210] : memref<25000x4x128xf32, #tpu.memory_space<hbm>> -> memref<32x4x128xf32, #tpu.memory_space<hbm>>
      tpu.wait_dma2 semaphore(%arg11 : memref<!tpu.dma_semaphore, #tpu.memory_space<semaphore_mem>>) src(%dma_wait3A_211 : memref<32x4x128xf32, #tpu.memory_space<hbm>>) dst(%dma_wait3A_207 : memref<32x4x128xf32, #tpu.memory_space<vmem>>)
      %mul3A_212 = arith.constant 0 : i32
      %mul3A_213 = arith.constant 4 : i32
      %mul3A_214 = arith.muli %mul3A_212, %mul3A_213 : i32
      %add3A_215 = vector.broadcast %mul3A_214 : i32 to vector<16xi32>
      %add3A_216 = arith.addi %add3A_215, %shift_right_logical3A_1 : vector<16xi32>
      %gather3A = tpu.vector_load_idx %arg6[%add3A_216] : memref<4112xi32, #tpu.memory_space<vmem>>[vector<16xi32>], vector<16xi32>,
      %ge3A = vector.broadcast %mul3A_9 : i32 to vector<16xi32>
      %ge3A_217 = arith.cmpi sge, %gather3A, %ge3A : vector<16xi32>
      %lt3A = vector.broadcast %add3A_11 : i32 to vector<16xi32>
      %lt3A_218 = arith.cmpi slt, %gather3A, %lt3A : vector<16xi32>
      %and3A_219 = arith.andi %ge3A_217, %lt3A_218 : vector<16xi1>
      %sub3A_220 = vector.broadcast %mul3A_9 : i32 to vector<16xi32>
      %sub3A_221 = arith.subi %gather3A, %sub3A_220 : vector<16xi32>
      %mul3A_222 = arith.constant 4 : i32
      %mul3A_223 = vector.broadcast %mul3A_222 : i32 to vector<16xi32>
      %mul3A_224 = arith.muli %sub3A_221, %mul3A_223 : vector<16xi32>
      %add3A_225 = arith.addi %mul3A_224, %and3A_3 : vector<16xi32>
      %jit3A = arith.constant 0 : i32
      %jit3A_226 = arith.constant 12511 : i32
      %max3A_227 = vector.broadcast %jit3A : i32 to vector<16xi32>
      %max3A_228 = arith.maxsi %max3A_227, %add3A_225 : vector<16xi32>
      %min3A_229 = vector.broadcast %jit3A_226 : i32 to vector<16xi32>
      %min3A_230 = arith.minsi %min3A_229, %max3A_228 : vector<16xi32>
      %add3A_231 = arith.addi %min3A_230, %mul3A_5 : vector<16xi32>
      %shift_right_logical3A_232 = arith.constant 0 : i32
      %shift_right_logical3A_233 = arith.constant 5 : i32
      %shift_right_logical3A_234 = arith.shrui %shift_right_logical3A_232, %shift_right_logical3A_233 : i32
      %broadcast_in_dim3A = vector.broadcast %shift_right_logical3A_234 : i32 to vector<16xi32>
      %and3A_235 = arith.constant 0 : i32
      %and3A_236 = arith.constant 31 : i32
      %and3A_237 = arith.andi %and3A_235, %and3A_236 : i32
      %mul3A_238 = arith.constant 4 : i32
      %mul3A_239 = arith.muli %and3A_237, %mul3A_238 : i32
      %add3A_240 = vector.broadcast %mul3A_239 : i32 to vector<16xi32>
      %add3A_241 = arith.addi %add3A_240, %shift_right_logical3A_1 : vector<16xi32>
      %gather3A_242 = tpu.vector_load_idx %arg5[%broadcast_in_dim3A, %and3A_3, %add3A_241] : memref<33x4x128xf32, #tpu.memory_space<vmem>>[vector<16xi32>, vector<16xi32>, vector<16xi32>], vector<16xf32>,
      %mul3A_243 = arith.constant 1 : i32
      %mul3A_244 = arith.constant 4 : i32
      %mul3A_245 = arith.muli %mul3A_243, %mul3A_244 : i32
      %add3A_246 = vector.broadcast %mul3A_245 : i32 to vector<16xi32>
      %add3A_247 = arith.addi %add3A_246, %shift_right_logical3A_1 : vector<16xi32>
      %gather3A_248 = tpu.vector_load_idx %arg6[%add3A_247] : memref<4112xi32, #tpu.memory_space<vmem>>[vector<16xi32>], vector<16xi32>,
      %ge3A_249 = vector.broadcast %mul3A_9 : i32 to vector<16xi32>
      %ge3A_250 = arith.cmpi sge, %gather3A_248, %ge3A_249 : vector<16xi32>
      %lt3A_251 = vector.broadcast %add3A_11 : i32 to vector<16xi32>
      %lt3A_252 = arith.cmpi slt, %gather3A_248, %lt3A_251 : vector<16xi32>
      %and3A_253 = arith.andi %ge3A_250, %lt3A_252 : vector<16xi1>
      %sub3A_254 = vector.broadcast %mul3A_9 : i32 to vector<16xi32>
      %sub3A_255 = arith.subi %gather3A_248, %sub3A_254 : vector<16xi32>
      %mul3A_256 = arith.constant 4 : i32
      %mul3A_257 = vector.broadcast %mul3A_256 : i32 to vector<16xi32>
      %mul3A_258 = arith.muli %sub3A_255, %mul3A_257 : vector<16xi32>
      %add3A_259 = arith.addi %mul3A_258, %and3A_3 : vector<16xi32>
      %jit3A_260 = arith.constant 0 : i32
      %jit3A_261 = arith.constant 12511 : i32
      %max3A_262 = vector.broadcast %jit3A_260 : i32 to vector<16xi32>
      %max3A_263 = arith.maxsi %max3A_262, %add3A_259 : vector<16xi32>
      %min3A_264 = vector.broadcast %jit3A_261 : i32 to vector<16xi32>
      %min3A_265 = arith.minsi %min3A_264, %max3A_263 : vector<16xi32>
      %add3A_266 = arith.addi %min3A_265, %mul3A_5 : vector<16xi32>
      %shift_right_logical3A_267 = arith.constant 1 : i32
      %shift_right_logical3A_268 = arith.constant 5 : i32
      %shift_right_logical3A_269 = arith.shrui %shift_right_logical3A_267, %shift_right_logical3A_268 : i32
      %broadcast_in_dim3A_270 = vector.broadcast %shift_right_logical3A_269 : i32 to vector<16xi32>
      %and3A_271 = arith.constant 1 : i32
      %and3A_272 = arith.constant 31 : i32
      %and3A_273 = arith.andi %and3A_271, %and3A_272 : i32
      %mul3A_274 = arith.constant 4 : i32
      %mul3A_275 = arith.muli %and3A_273, %mul3A_274 : i32
      %add3A_276 = vector.broadcast %mul3A_275 : i32 to vector<16xi32>
      %add3A_277 = arith.addi %add3A_276, %shift_right_logical3A_1 : vector<16xi32>
      %gather3A_278 = tpu.vector_load_idx %arg5[%broadcast_in_dim3A_270, %and3A_3, %add3A_277] : memref<33x4x128xf32, #tpu.memory_space<vmem>>[vector<16xi32>, vector<16xi32>, vector<16xi32>], vector<16xf32>,
      %scan3A_279 = arith.constant 0 : i32
      %scan3A_280 = arith.constant 512 : i32
      %scan3A_281 = arith.addi %scan3A_279, %scan3A_280 : i32
      %scan3A_282 = arith.constant 1 : i32
      %scan3A_283:6 = scf.for %scan3A_452 = %scan3A_279 to %scan3A_281 step %scan3A_282 iter_args(%scan3A_453 = %add3A_231, %scan3A_454 = %and3A_219, %scan3A_455 = %gather3A_242, %scan3A_456 = %add3A_266, %scan3A_457 = %and3A_253, %scan3A_458 = %gather3A_278) -> (vector<16xi32>, vector<16xi1>, vector<16xf32>, vector<16xi32>, vector<16xi1>, vector<16xf32>)  : i32 {
        %gather3A_459 = tpu.vector_load_idx %arg9[%scan3A_453] masked %scan3A_454 : memref<50048xf32, #tpu.memory_space<vmem>>[vector<16xi32>], vector<16xf32>, vector<16xi1>
        %min3A_460 = arith.minimumf %gather3A_459, %scan3A_455 : vector<16xf32>
        tpu.vector_store_idx %arg9[%scan3A_453], %min3A_460 masked %scan3A_454 : memref<50048xf32, #tpu.memory_space<vmem>>[vector<16xi32>], vector<16xf32>, vector<16xi1>
        %gather3A_461 = tpu.vector_load_idx %arg9[%scan3A_456] masked %scan3A_457 : memref<50048xf32, #tpu.memory_space<vmem>>[vector<16xi32>], vector<16xf32>, vector<16xi1>
        %min3A_462 = arith.minimumf %gather3A_461, %scan3A_458 : vector<16xf32>
        tpu.vector_store_idx %arg9[%scan3A_456], %min3A_462 masked %scan3A_457 : memref<50048xf32, #tpu.memory_space<vmem>>[vector<16xi32>], vector<16xf32>, vector<16xi1>
        %mul3A_463 = arith.constant 2 : i32
        %mul3A_464 = arith.muli %scan3A_452, %mul3A_463 : i32
        %add3A_465 = arith.constant 2 : i32
        %add3A_466 = arith.addi %mul3A_464, %add3A_465 : i32
        %mul3A_467 = arith.constant 4 : i32
        %mul3A_468 = arith.muli %add3A_466, %mul3A_467 : i32
        %add3A_469 = vector.broadcast %mul3A_468 : i32 to vector<16xi32>
        %add3A_470 = arith.addi %add3A_469, %shift_right_logical3A_1 : vector<16xi32>
        %gather3A_471 = tpu.vector_load_idx %arg6[%add3A_470] : memref<4112xi32, #tpu.memory_space<vmem>>[vector<16xi32>], vector<16xi32>,
        %ge3A_472 = vector.broadcast %mul3A_9 : i32 to vector<16xi32>
        %ge3A_473 = arith.cmpi sge, %gather3A_471, %ge3A_472 : vector<16xi32>
        %lt3A_474 = vector.broadcast %add3A_11 : i32 to vector<16xi32>
        %lt3A_475 = arith.cmpi slt, %gather3A_471, %lt3A_474 : vector<16xi32>
        %and3A_476 = arith.andi %ge3A_473, %lt3A_475 : vector<16xi1>
        %sub3A_477 = vector.broadcast %mul3A_9 : i32 to vector<16xi32>
        %sub3A_478 = arith.subi %gather3A_471, %sub3A_477 : vector<16xi32>
        %mul3A_479 = arith.constant 4 : i32
        %mul3A_480 = vector.broadcast %mul3A_479 : i32 to vector<16xi32>
        %mul3A_481 = arith.muli %sub3A_478, %mul3A_480 : vector<16xi32>
        %add3A_482 = arith.addi %mul3A_481, %and3A_3 : vector<16xi32>
        %jit3A_483 = arith.constant 0 : i32
        %jit3A_484 = arith.constant 12511 : i32
        %max3A_485 = vector.broadcast %jit3A_483 : i32 to vector<16xi32>
        %max3A_486 = arith.maxsi %max3A_485, %add3A_482 : vector<16xi32>
        %min3A_487 = vector.broadcast %jit3A_484 : i32 to vector<16xi32>
        %min3A_488 = arith.minsi %min3A_487, %max3A_486 : vector<16xi32>
        %add3A_489 = arith.addi %min3A_488, %mul3A_5 : vector<16xi32>
        %shift_right_logical3A_490 = arith.constant 5 : i32
        %shift_right_logical3A_491 = arith.shrui %add3A_466, %shift_right_logical3A_490 : i32
        %broadcast_in_dim3A_492 = vector.broadcast %shift_right_logical3A_491 : i32 to vector<16xi32>
        %and3A_493 = arith.constant 31 : i32
        %and3A_494 = arith.andi %add3A_466, %and3A_493 : i32
        %mul3A_495 = arith.constant 4 : i32
        %mul3A_496 = arith.muli %and3A_494, %mul3A_495 : i32
        %add3A_497 = vector.broadcast %mul3A_496 : i32 to vector<16xi32>
        %add3A_498 = arith.addi %add3A_497, %shift_right_logical3A_1 : vector<16xi32>
        %gather3A_499 = tpu.vector_load_idx %arg5[%broadcast_in_dim3A_492, %and3A_3, %add3A_498] : memref<33x4x128xf32, #tpu.memory_space<vmem>>[vector<16xi32>, vector<16xi32>, vector<16xi32>], vector<16xf32>,
        %mul3A_500 = arith.constant 2 : i32
        %mul3A_501 = arith.muli %scan3A_452, %mul3A_500 : i32
        %add3A_502 = arith.constant 3 : i32
        %add3A_503 = arith.addi %mul3A_501, %add3A_502 : i32
        %mul3A_504 = arith.constant 4 : i32
        %mul3A_505 = arith.muli %add3A_503, %mul3A_504 : i32
        %add3A_506 = vector.broadcast %mul3A_505 : i32 to vector<16xi32>
        %add3A_507 = arith.addi %add3A_506, %shift_right_logical3A_1 : vector<16xi32>
        %gather3A_508 = tpu.vector_load_idx %arg6[%add3A_507] : memref<4112xi32, #tpu.memory_space<vmem>>[vector<16xi32>], vector<16xi32>,
        %ge3A_509 = vector.broadcast %mul3A_9 : i32 to vector<16xi32>
        %ge3A_510 = arith.cmpi sge, %gather3A_508, %ge3A_509 : vector<16xi32>
        %lt3A_511 = vector.broadcast %add3A_11 : i32 to vector<16xi32>
        %lt3A_512 = arith.cmpi slt, %gather3A_508, %lt3A_511 : vector<16xi32>
        %and3A_513 = arith.andi %ge3A_510, %lt3A_512 : vector<16xi1>
        %sub3A_514 = vector.broadcast %mul3A_9 : i32 to vector<16xi32>
        %sub3A_515 = arith.subi %gather3A_508, %sub3A_514 : vector<16xi32>
        %mul3A_516 = arith.constant 4 : i32
        %mul3A_517 = vector.broadcast %mul3A_516 : i32 to vector<16xi32>
        %mul3A_518 = arith.muli %sub3A_515, %mul3A_517 : vector<16xi32>
        %add3A_519 = arith.addi %mul3A_518, %and3A_3 : vector<16xi32>
        %jit3A_520 = arith.constant 0 : i32
        %jit3A_521 = arith.constant 12511 : i32
        %max3A_522 = vector.broadcast %jit3A_520 : i32 to vector<16xi32>
        %max3A_523 = arith.maxsi %max3A_522, %add3A_519 : vector<16xi32>
        %min3A_524 = vector.broadcast %jit3A_521 : i32 to vector<16xi32>
        %min3A_525 = arith.minsi %min3A_524, %max3A_523 : vector<16xi32>
        %add3A_526 = arith.addi %min3A_525, %mul3A_5 : vector<16xi32>
        %shift_right_logical3A_527 = arith.constant 5 : i32
        %shift_right_logical3A_528 = arith.shrui %add3A_503, %shift_right_logical3A_527 : i32
        %broadcast_in_dim3A_529 = vector.broadcast %shift_right_logical3A_528 : i32 to vector<16xi32>
        %and3A_530 = arith.constant 31 : i32
        %and3A_531 = arith.andi %add3A_503, %and3A_530 : i32
        %mul3A_532 = arith.constant 4 : i32
        %mul3A_533 = arith.muli %and3A_531, %mul3A_532 : i32
        %add3A_534 = vector.broadcast %mul3A_533 : i32 to vector<16xi32>
        %add3A_535 = arith.addi %add3A_534, %shift_right_logical3A_1 : vector<16xi32>
        %gather3A_536 = tpu.vector_load_idx %arg5[%broadcast_in_dim3A_529, %and3A_3, %add3A_535] : memref<33x4x128xf32, #tpu.memory_space<vmem>>[vector<16xi32>, vector<16xi32>, vector<16xi32>], vector<16xf32>,
        scf.yield %add3A_489, %and3A_476, %gather3A_499, %add3A_526, %and3A_513, %gather3A_536 : vector<16xi32>, vector<16xi1>, vector<16xf32>, vector<16xi32>, vector<16xi1>, vector<16xf32>
      }
      %scan3A_284 = arith.constant 512 : i32
      %mul3A_285 = arith.constant 2 : i32
      %mul3A_286 = arith.muli %mul3A_285, %while3A_186 : i32
      %add3A_287 = arith.constant 2 : i32
      %add3A_288 = arith.addi %mul3A_286, %add3A_287 : i32
      %mul3A_289 = arith.constant 4096 : i32
      %mul3A_290 = arith.muli %add3A_288, %mul3A_289 : i32
      %add3A_291 = arith.addi %and3A_23, %mul3A_290 : i32
      %min3A_292 = arith.constant 3195904 : i32
      %min3A_293 = arith.minsi %add3A_291, %min3A_292 : i32
      %multiple_of3A_294 = tpu.assume_multiple %min3A_293, 128 : i32
      %dma_start3A_295 = arith.constant 0 : i32
      %dma_start3A_296 = tpu.memref_slice %arg6[%dma_start3A_295] : memref<4112xi32, #tpu.memory_space<vmem>> -> memref<4096xi32, #tpu.memory_space<vmem>>
      %dma_start3A_297 = tpu.memref_slice %arg3[%multiple_of3A_294] : memref<3200000xi32, #tpu.memory_space<hbm>> -> memref<4096xi32, #tpu.memory_space<hbm>>
      %dma_start3A_298 = arith.constant 0 : i32
      %dma_start3A_299 = tpu.memref_slice %arg6[%dma_start3A_298] : memref<4112xi32, #tpu.memory_space<vmem>> -> memref<4096xi32, #tpu.memory_space<vmem>>
      %dma_start3A_300 = tpu.memref_slice %arg3[%multiple_of3A_294] : memref<3200000xi32, #tpu.memory_space<hbm>> -> memref<4096xi32, #tpu.memory_space<hbm>>
      tpu.enqueue_dma source(%dma_start3A_300 : memref<4096xi32, #tpu.memory_space<hbm>>) target(%dma_start3A_299 : memref<4096xi32, #tpu.memory_space<vmem>>) target_semaphore(%arg11 : memref<!tpu.dma_semaphore, #tpu.memory_space<semaphore_mem>>)
      %shift_right_logical3A_301 = arith.constant 7 : i32
      %shift_right_logical3A_302 = arith.shrui %multiple_of3A_294, %shift_right_logical3A_301 : i32
      %dma_start3A_303 = arith.constant 0 : i32
      %dma_start3A_304 = arith.constant 0 : i32
      %dma_start3A_305 = arith.constant 0 : i32
      %dma_start3A_306 = tpu.memref_slice %arg5[%dma_start3A_303, %dma_start3A_304, %dma_start3A_305] : memref<33x4x128xf32, #tpu.memory_space<vmem>> -> memref<32x4x128xf32, #tpu.memory_space<vmem>>
      %dma_start3A_307 = arith.constant 0 : i32
      %dma_start3A_308 = arith.constant 0 : i32
      %dma_start3A_309 = tpu.memref_slice %arg2[%shift_right_logical3A_302, %dma_start3A_307, %dma_start3A_308] : memref<25000x4x128xf32, #tpu.memory_space<hbm>> -> memref<32x4x128xf32, #tpu.memory_space<hbm>>
      %dma_start3A_310 = arith.constant 0 : i32
      %dma_start3A_311 = arith.constant 0 : i32
      %dma_start3A_312 = arith.constant 0 : i32
      %dma_start3A_313 = tpu.memref_slice %arg5[%dma_start3A_310, %dma_start3A_311, %dma_start3A_312] : memref<33x4x128xf32, #tpu.memory_space<vmem>> -> memref<32x4x128xf32, #tpu.memory_space<vmem>>
      %dma_start3A_314 = arith.constant 0 : i32
      %dma_start3A_315 = arith.constant 0 : i32
      %dma_start3A_316 = tpu.memref_slice %arg2[%shift_right_logical3A_302, %dma_start3A_314, %dma_start3A_315] : memref<25000x4x128xf32, #tpu.memory_space<hbm>> -> memref<32x4x128xf32, #tpu.memory_space<hbm>>
      tpu.enqueue_dma source(%dma_start3A_316 : memref<32x4x128xf32, #tpu.memory_space<hbm>>) target(%dma_start3A_313 : memref<32x4x128xf32, #tpu.memory_space<vmem>>) target_semaphore(%arg11 : memref<!tpu.dma_semaphore, #tpu.memory_space<semaphore_mem>>)
      %dma_wait3A_317 = arith.constant 0 : i32
      %dma_wait3A_318 = tpu.memref_slice %arg8[%dma_wait3A_317] : memref<4112xi32, #tpu.memory_space<vmem>> -> memref<4096xi32, #tpu.memory_space<vmem>>
      %dma_wait3A_319 = arith.constant 0 : i32
      %dma_wait3A_320 = tpu.memref_slice %arg3[%dma_wait3A_319] : memref<3200000xi32, #tpu.memory_space<hbm>> -> memref<4096xi32, #tpu.memory_space<hbm>>
      %dma_wait3A_321 = arith.constant 0 : i32
      %dma_wait3A_322 = tpu.memref_slice %arg8[%dma_wait3A_321] : memref<4112xi32, #tpu.memory_space<vmem>> -> memref<4096xi32, #tpu.memory_space<vmem>>
      %dma_wait3A_323 = arith.constant 0 : i32
      %dma_wait3A_324 = tpu.memref_slice %arg3[%dma_wait3A_323] : memref<3200000xi32, #tpu.memory_space<hbm>> -> memref<4096xi32, #tpu.memory_space<hbm>>
      tpu.wait_dma2 semaphore(%arg12 : memref<!tpu.dma_semaphore, #tpu.memory_space<semaphore_mem>>) src(%dma_wait3A_324 : memref<4096xi32, #tpu.memory_space<hbm>>) dst(%dma_wait3A_322 : memref<4096xi32, #tpu.memory_space<vmem>>)
      %dma_wait3A_325 = arith.constant 0 : i32
      %dma_wait3A_326 = arith.constant 0 : i32
      %dma_wait3A_327 = arith.constant 0 : i32
      %dma_wait3A_328 = tpu.memref_slice %arg7[%dma_wait3A_325, %dma_wait3A_326, %dma_wait3A_327] : memref<33x4x128xf32, #tpu.memory_space<vmem>> -> memref<32x4x128xf32, #tpu.memory_space<vmem>>
      %dma_wait3A_329 = arith.constant 0 : i32
      %dma_wait3A_330 = arith.constant 0 : i32
      %dma_wait3A_331 = arith.constant 0 : i32
      %dma_wait3A_332 = tpu.memref_slice %arg2[%dma_wait3A_329, %dma_wait3A_330, %dma_wait3A_331] : memref<25000x4x128xf32, #tpu.memory_space<hbm>> -> memref<32x4x128xf32, #tpu.memory_space<hbm>>
      %dma_wait3A_333 = arith.constant 0 : i32
      %dma_wait3A_334 = arith.constant 0 : i32
      %dma_wait3A_335 = arith.constant 0 : i32
      %dma_wait3A_336 = tpu.memref_slice %arg7[%dma_wait3A_333, %dma_wait3A_334, %dma_wait3A_335] : memref<33x4x128xf32, #tpu.memory_space<vmem>> -> memref<32x4x128xf32, #tpu.memory_space<vmem>>
      %dma_wait3A_337 = arith.constant 0 : i32
      %dma_wait3A_338 = arith.constant 0 : i32
      %dma_wait3A_339 = arith.constant 0 : i32
      %dma_wait3A_340 = tpu.memref_slice %arg2[%dma_wait3A_337, %dma_wait3A_338, %dma_wait3A_339] : memref<25000x4x128xf32, #tpu.memory_space<hbm>> -> memref<32x4x128xf32, #tpu.memory_space<hbm>>
      tpu.wait_dma2 semaphore(%arg12 : memref<!tpu.dma_semaphore, #tpu.memory_space<semaphore_mem>>) src(%dma_wait3A_340 : memref<32x4x128xf32, #tpu.memory_space<hbm>>) dst(%dma_wait3A_336 : memref<32x4x128xf32, #tpu.memory_space<vmem>>)
      %mul3A_341 = arith.constant 0 : i32
      %mul3A_342 = arith.constant 4 : i32
      %mul3A_343 = arith.muli %mul3A_341, %mul3A_342 : i32
      %add3A_344 = vector.broadcast %mul3A_343 : i32 to vector<16xi32>
      %add3A_345 = arith.addi %add3A_344, %shift_right_logical3A_1 : vector<16xi32>
      %gather3A_346 = tpu.vector_load_idx %arg8[%add3A_345] : memref<4112xi32, #tpu.memory_space<vmem>>[vector<16xi32>], vector<16xi32>,
      %ge3A_347 = vector.broadcast %mul3A_9 : i32 to vector<16xi32>
      %ge3A_348 = arith.cmpi sge, %gather3A_346, %ge3A_347 : vector<16xi32>
      %lt3A_349 = vector.broadcast %add3A_11 : i32 to vector<16xi32>
      %lt3A_350 = arith.cmpi slt, %gather3A_346, %lt3A_349 : vector<16xi32>
      %and3A_351 = arith.andi %ge3A_348, %lt3A_350 : vector<16xi1>
      %sub3A_352 = vector.broadcast %mul3A_9 : i32 to vector<16xi32>
      %sub3A_353 = arith.subi %gather3A_346, %sub3A_352 : vector<16xi32>
      %mul3A_354 = arith.constant 4 : i32
      %mul3A_355 = vector.broadcast %mul3A_354 : i32 to vector<16xi32>
      %mul3A_356 = arith.muli %sub3A_353, %mul3A_355 : vector<16xi32>
      %add3A_357 = arith.addi %mul3A_356, %and3A_3 : vector<16xi32>
      %jit3A_358 = arith.constant 0 : i32
      %jit3A_359 = arith.constant 12511 : i32
      %max3A_360 = vector.broadcast %jit3A_358 : i32 to vector<16xi32>
      %max3A_361 = arith.maxsi %max3A_360, %add3A_357 : vector<16xi32>
      %min3A_362 = vector.broadcast %jit3A_359 : i32 to vector<16xi32>
      %min3A_363 = arith.minsi %min3A_362, %max3A_361 : vector<16xi32>
      %add3A_364 = arith.addi %min3A_363, %mul3A_5 : vector<16xi32>
      %shift_right_logical3A_365 = arith.constant 0 : i32
      %shift_right_logical3A_366 = arith.constant 5 : i32
      %shift_right_logical3A_367 = arith.shrui %shift_right_logical3A_365, %shift_right_logical3A_366 : i32
      %broadcast_in_dim3A_368 = vector.broadcast %shift_right_logical3A_367 : i32 to vector<16xi32>
      %and3A_369 = arith.constant 0 : i32
      %and3A_370 = arith.constant 31 : i32
      %and3A_371 = arith.andi %and3A_369, %and3A_370 : i32
      %mul3A_372 = arith.constant 4 : i32
      %mul3A_373 = arith.muli %and3A_371, %mul3A_372 : i32
      %add3A_374 = vector.broadcast %mul3A_373 : i32 to vector<16xi32>
      %add3A_375 = arith.addi %add3A_374, %shift_right_logical3A_1 : vector<16xi32>
      %gather3A_376 = tpu.vector_load_idx %arg7[%broadcast_in_dim3A_368, %and3A_3, %add3A_375] : memref<33x4x128xf32, #tpu.memory_space<vmem>>[vector<16xi32>, vector<16xi32>, vector<16xi32>], vector<16xf32>,
      %mul3A_377 = arith.constant 1 : i32
      %mul3A_378 = arith.constant 4 : i32
      %mul3A_379 = arith.muli %mul3A_377, %mul3A_378 : i32
      %add3A_380 = vector.broadcast %mul3A_379 : i32 to vector<16xi32>
      %add3A_381 = arith.addi %add3A_380, %shift_right_logical3A_1 : vector<16xi32>
      %gather3A_382 = tpu.vector_load_idx %arg8[%add3A_381] : memref<4112xi32, #tpu.memory_space<vmem>>[vector<16xi32>], vector<16xi32>,
      %ge3A_383 = vector.broadcast %mul3A_9 : i32 to vector<16xi32>
      %ge3A_384 = arith.cmpi sge, %gather3A_382, %ge3A_383 : vector<16xi32>
      %lt3A_385 = vector.broadcast %add3A_11 : i32 to vector<16xi32>
      %lt3A_386 = arith.cmpi slt, %gather3A_382, %lt3A_385 : vector<16xi32>
      %and3A_387 = arith.andi %ge3A_384, %lt3A_386 : vector<16xi1>
      %sub3A_388 = vector.broadcast %mul3A_9 : i32 to vector<16xi32>
      %sub3A_389 = arith.subi %gather3A_382, %sub3A_388 : vector<16xi32>
      %mul3A_390 = arith.constant 4 : i32
      %mul3A_391 = vector.broadcast %mul3A_390 : i32 to vector<16xi32>
      %mul3A_392 = arith.muli %sub3A_389, %mul3A_391 : vector<16xi32>
      %add3A_393 = arith.addi %mul3A_392, %and3A_3 : vector<16xi32>
      %jit3A_394 = arith.constant 0 : i32
      %jit3A_395 = arith.constant 12511 : i32
      %max3A_396 = vector.broadcast %jit3A_394 : i32 to vector<16xi32>
      %max3A_397 = arith.maxsi %max3A_396, %add3A_393 : vector<16xi32>
      %min3A_398 = vector.broadcast %jit3A_395 : i32 to vector<16xi32>
      %min3A_399 = arith.minsi %min3A_398, %max3A_397 : vector<16xi32>
      %add3A_400 = arith.addi %min3A_399, %mul3A_5 : vector<16xi32>
      %shift_right_logical3A_401 = arith.constant 1 : i32
      %shift_right_logical3A_402 = arith.constant 5 : i32
      %shift_right_logical3A_403 = arith.shrui %shift_right_logical3A_401, %shift_right_logical3A_402 : i32
      %broadcast_in_dim3A_404 = vector.broadcast %shift_right_logical3A_403 : i32 to vector<16xi32>
      %and3A_405 = arith.constant 1 : i32
      %and3A_406 = arith.constant 31 : i32
      %and3A_407 = arith.andi %and3A_405, %and3A_406 : i32
      %mul3A_408 = arith.constant 4 : i32
      %mul3A_409 = arith.muli %and3A_407, %mul3A_408 : i32
      %add3A_410 = vector.broadcast %mul3A_409 : i32 to vector<16xi32>
      %add3A_411 = arith.addi %add3A_410, %shift_right_logical3A_1 : vector<16xi32>
      %gather3A_412 = tpu.vector_load_idx %arg7[%broadcast_in_dim3A_404, %and3A_3, %add3A_411] : memref<33x4x128xf32, #tpu.memory_space<vmem>>[vector<16xi32>, vector<16xi32>, vector<16xi32>], vector<16xf32>,
      %scan3A_413 = arith.constant 0 : i32
      %scan3A_414 = arith.constant 512 : i32
      %scan3A_415 = arith.addi %scan3A_413, %scan3A_414 : i32
      %scan3A_416 = arith.constant 1 : i32
      %scan3A_417:6 = scf.for %scan3A_452 = %scan3A_413 to %scan3A_415 step %scan3A_416 iter_args(%scan3A_453 = %add3A_364, %scan3A_454 = %and3A_351, %scan3A_455 = %gather3A_376, %scan3A_456 = %add3A_400, %scan3A_457 = %and3A_387, %scan3A_458 = %gather3A_412) -> (vector<16xi32>, vector<16xi1>, vector<16xf32>, vector<16xi32>, vector<16xi1>, vector<16xf32>)  : i32 {
        %gather3A_459 = tpu.vector_load_idx %arg9[%scan3A_453] masked %scan3A_454 : memref<50048xf32, #tpu.memory_space<vmem>>[vector<16xi32>], vector<16xf32>, vector<16xi1>
        %min3A_460 = arith.minimumf %gather3A_459, %scan3A_455 : vector<16xf32>
        tpu.vector_store_idx %arg9[%scan3A_453], %min3A_460 masked %scan3A_454 : memref<50048xf32, #tpu.memory_space<vmem>>[vector<16xi32>], vector<16xf32>, vector<16xi1>
        %gather3A_461 = tpu.vector_load_idx %arg9[%scan3A_456] masked %scan3A_457 : memref<50048xf32, #tpu.memory_space<vmem>>[vector<16xi32>], vector<16xf32>, vector<16xi1>
        %min3A_462 = arith.minimumf %gather3A_461, %scan3A_458 : vector<16xf32>
        tpu.vector_store_idx %arg9[%scan3A_456], %min3A_462 masked %scan3A_457 : memref<50048xf32, #tpu.memory_space<vmem>>[vector<16xi32>], vector<16xf32>, vector<16xi1>
        %mul3A_463 = arith.constant 2 : i32
        %mul3A_464 = arith.muli %scan3A_452, %mul3A_463 : i32
        %add3A_465 = arith.constant 2 : i32
        %add3A_466 = arith.addi %mul3A_464, %add3A_465 : i32
        %mul3A_467 = arith.constant 4 : i32
        %mul3A_468 = arith.muli %add3A_466, %mul3A_467 : i32
        %add3A_469 = vector.broadcast %mul3A_468 : i32 to vector<16xi32>
        %add3A_470 = arith.addi %add3A_469, %shift_right_logical3A_1 : vector<16xi32>
        %gather3A_471 = tpu.vector_load_idx %arg8[%add3A_470] : memref<4112xi32, #tpu.memory_space<vmem>>[vector<16xi32>], vector<16xi32>,
        %ge3A_472 = vector.broadcast %mul3A_9 : i32 to vector<16xi32>
        %ge3A_473 = arith.cmpi sge, %gather3A_471, %ge3A_472 : vector<16xi32>
        %lt3A_474 = vector.broadcast %add3A_11 : i32 to vector<16xi32>
        %lt3A_475 = arith.cmpi slt, %gather3A_471, %lt3A_474 : vector<16xi32>
        %and3A_476 = arith.andi %ge3A_473, %lt3A_475 : vector<16xi1>
        %sub3A_477 = vector.broadcast %mul3A_9 : i32 to vector<16xi32>
        %sub3A_478 = arith.subi %gather3A_471, %sub3A_477 : vector<16xi32>
        %mul3A_479 = arith.constant 4 : i32
        %mul3A_480 = vector.broadcast %mul3A_479 : i32 to vector<16xi32>
        %mul3A_481 = arith.muli %sub3A_478, %mul3A_480 : vector<16xi32>
        %add3A_482 = arith.addi %mul3A_481, %and3A_3 : vector<16xi32>
        %jit3A_483 = arith.constant 0 : i32
        %jit3A_484 = arith.constant 12511 : i32
        %max3A_485 = vector.broadcast %jit3A_483 : i32 to vector<16xi32>
        %max3A_486 = arith.maxsi %max3A_485, %add3A_482 : vector<16xi32>
        %min3A_487 = vector.broadcast %jit3A_484 : i32 to vector<16xi32>
        %min3A_488 = arith.minsi %min3A_487, %max3A_486 : vector<16xi32>
        %add3A_489 = arith.addi %min3A_488, %mul3A_5 : vector<16xi32>
        %shift_right_logical3A_490 = arith.constant 5 : i32
        %shift_right_logical3A_491 = arith.shrui %add3A_466, %shift_right_logical3A_490 : i32
        %broadcast_in_dim3A_492 = vector.broadcast %shift_right_logical3A_491 : i32 to vector<16xi32>
        %and3A_493 = arith.constant 31 : i32
        %and3A_494 = arith.andi %add3A_466, %and3A_493 : i32
        %mul3A_495 = arith.constant 4 : i32
        %mul3A_496 = arith.muli %and3A_494, %mul3A_495 : i32
        %add3A_497 = vector.broadcast %mul3A_496 : i32 to vector<16xi32>
        %add3A_498 = arith.addi %add3A_497, %shift_right_logical3A_1 : vector<16xi32>
        %gather3A_499 = tpu.vector_load_idx %arg7[%broadcast_in_dim3A_492, %and3A_3, %add3A_498] : memref<33x4x128xf32, #tpu.memory_space<vmem>>[vector<16xi32>, vector<16xi32>, vector<16xi32>], vector<16xf32>,
        %mul3A_500 = arith.constant 2 : i32
        %mul3A_501 = arith.muli %scan3A_452, %mul3A_500 : i32
        %add3A_502 = arith.constant 3 : i32
        %add3A_503 = arith.addi %mul3A_501, %add3A_502 : i32
        %mul3A_504 = arith.constant 4 : i32
        %mul3A_505 = arith.muli %add3A_503, %mul3A_504 : i32
        %add3A_506 = vector.broadcast %mul3A_505 : i32 to vector<16xi32>
        %add3A_507 = arith.addi %add3A_506, %shift_right_logical3A_1 : vector<16xi32>
        %gather3A_508 = tpu.vector_load_idx %arg8[%add3A_507] : memref<4112xi32, #tpu.memory_space<vmem>>[vector<16xi32>], vector<16xi32>,
        %ge3A_509 = vector.broadcast %mul3A_9 : i32 to vector<16xi32>
        %ge3A_510 = arith.cmpi sge, %gather3A_508, %ge3A_509 : vector<16xi32>
        %lt3A_511 = vector.broadcast %add3A_11 : i32 to vector<16xi32>
        %lt3A_512 = arith.cmpi slt, %gather3A_508, %lt3A_511 : vector<16xi32>
        %and3A_513 = arith.andi %ge3A_510, %lt3A_512 : vector<16xi1>
        %sub3A_514 = vector.broadcast %mul3A_9 : i32 to vector<16xi32>
        %sub3A_515 = arith.subi %gather3A_508, %sub3A_514 : vector<16xi32>
        %mul3A_516 = arith.constant 4 : i32
        %mul3A_517 = vector.broadcast %mul3A_516 : i32 to vector<16xi32>
        %mul3A_518 = arith.muli %sub3A_515, %mul3A_517 : vector<16xi32>
        %add3A_519 = arith.addi %mul3A_518, %and3A_3 : vector<16xi32>
        %jit3A_520 = arith.constant 0 : i32
        %jit3A_521 = arith.constant 12511 : i32
        %max3A_522 = vector.broadcast %jit3A_520 : i32 to vector<16xi32>
        %max3A_523 = arith.maxsi %max3A_522, %add3A_519 : vector<16xi32>
        %min3A_524 = vector.broadcast %jit3A_521 : i32 to vector<16xi32>
        %min3A_525 = arith.minsi %min3A_524, %max3A_523 : vector<16xi32>
        %add3A_526 = arith.addi %min3A_525, %mul3A_5 : vector<16xi32>
        %shift_right_logical3A_527 = arith.constant 5 : i32
        %shift_right_logical3A_528 = arith.shrui %add3A_503, %shift_right_logical3A_527 : i32
        %broadcast_in_dim3A_529 = vector.broadcast %shift_right_logical3A_528 : i32 to vector<16xi32>
        %and3A_530 = arith.constant 31 : i32
        %and3A_531 = arith.andi %add3A_503, %and3A_530 : i32
        %mul3A_532 = arith.constant 4 : i32
        %mul3A_533 = arith.muli %and3A_531, %mul3A_532 : i32
        %add3A_534 = vector.broadcast %mul3A_533 : i32 to vector<16xi32>
        %add3A_535 = arith.addi %add3A_534, %shift_right_logical3A_1 : vector<16xi32>
        %gather3A_536 = tpu.vector_load_idx %arg7[%broadcast_in_dim3A_529, %and3A_3, %add3A_535] : memref<33x4x128xf32, #tpu.memory_space<vmem>>[vector<16xi32>, vector<16xi32>, vector<16xi32>], vector<16xf32>,
        scf.yield %add3A_489, %and3A_476, %gather3A_499, %add3A_526, %and3A_513, %gather3A_536 : vector<16xi32>, vector<16xi1>, vector<16xf32>, vector<16xi32>, vector<16xi1>, vector<16xf32>
      }
      %scan3A_418 = arith.constant 512 : i32
      %mul3A_419 = arith.constant 2 : i32
      %mul3A_420 = arith.muli %mul3A_419, %while3A_186 : i32
      %add3A_421 = arith.constant 3 : i32
      %add3A_422 = arith.addi %mul3A_420, %add3A_421 : i32
      %mul3A_423 = arith.constant 4096 : i32
      %mul3A_424 = arith.muli %add3A_422, %mul3A_423 : i32
      %add3A_425 = arith.addi %and3A_23, %mul3A_424 : i32
      %min3A_426 = arith.constant 3195904 : i32
      %min3A_427 = arith.minsi %add3A_425, %min3A_426 : i32
      %multiple_of3A_428 = tpu.assume_multiple %min3A_427, 128 : i32
      %dma_start3A_429 = arith.constant 0 : i32
      %dma_start3A_430 = tpu.memref_slice %arg8[%dma_start3A_429] : memref<4112xi32, #tpu.memory_space<vmem>> -> memref<4096xi32, #tpu.memory_space<vmem>>
      %dma_start3A_431 = tpu.memref_slice %arg3[%multiple_of3A_428] : memref<3200000xi32, #tpu.memory_space<hbm>> -> memref<4096xi32, #tpu.memory_space<hbm>>
      %dma_start3A_432 = arith.constant 0 : i32
      %dma_start3A_433 = tpu.memref_slice %arg8[%dma_start3A_432] : memref<4112xi32, #tpu.memory_space<vmem>> -> memref<4096xi32, #tpu.memory_space<vmem>>
      %dma_start3A_434 = tpu.memref_slice %arg3[%multiple_of3A_428] : memref<3200000xi32, #tpu.memory_space<hbm>> -> memref<4096xi32, #tpu.memory_space<hbm>>
      tpu.enqueue_dma source(%dma_start3A_434 : memref<4096xi32, #tpu.memory_space<hbm>>) target(%dma_start3A_433 : memref<4096xi32, #tpu.memory_space<vmem>>) target_semaphore(%arg12 : memref<!tpu.dma_semaphore, #tpu.memory_space<semaphore_mem>>)
      %shift_right_logical3A_435 = arith.constant 7 : i32
      %shift_right_logical3A_436 = arith.shrui %multiple_of3A_428, %shift_right_logical3A_435 : i32
      %dma_start3A_437 = arith.constant 0 : i32
      %dma_start3A_438 = arith.constant 0 : i32
      %dma_start3A_439 = arith.constant 0 : i32
      %dma_start3A_440 = tpu.memref_slice %arg7[%dma_start3A_437, %dma_start3A_438, %dma_start3A_439] : memref<33x4x128xf32, #tpu.memory_space<vmem>> -> memref<32x4x128xf32, #tpu.memory_space<vmem>>
      %dma_start3A_441 = arith.constant 0 : i32
      %dma_start3A_442 = arith.constant 0 : i32
      %dma_start3A_443 = tpu.memref_slice %arg2[%shift_right_logical3A_436, %dma_start3A_441, %dma_start3A_442] : memref<25000x4x128xf32, #tpu.memory_space<hbm>> -> memref<32x4x128xf32, #tpu.memory_space<hbm>>
      %dma_start3A_444 = arith.constant 0 : i32
      %dma_start3A_445 = arith.constant 0 : i32
      %dma_start3A_446 = arith.constant 0 : i32
      %dma_start3A_447 = tpu.memref_slice %arg7[%dma_start3A_444, %dma_start3A_445, %dma_start3A_446] : memref<33x4x128xf32, #tpu.memory_space<vmem>> -> memref<32x4x128xf32, #tpu.memory_space<vmem>>
      %dma_start3A_448 = arith.constant 0 : i32
      %dma_start3A_449 = arith.constant 0 : i32
      %dma_start3A_450 = tpu.memref_slice %arg2[%shift_right_logical3A_436, %dma_start3A_448, %dma_start3A_449] : memref<25000x4x128xf32, #tpu.memory_space<hbm>> -> memref<32x4x128xf32, #tpu.memory_space<hbm>>
      tpu.enqueue_dma source(%dma_start3A_450 : memref<32x4x128xf32, #tpu.memory_space<hbm>>) target(%dma_start3A_447 : memref<32x4x128xf32, #tpu.memory_space<vmem>>) target_semaphore(%arg12 : memref<!tpu.dma_semaphore, #tpu.memory_space<semaphore_mem>>)
      %while3A_451 = arith.constant 0 : i32
      scf.yield %while3A_451 : i32
    }
    %dma_wait3A = arith.constant 0 : i32
    %dma_wait3A_117 = tpu.memref_slice %arg6[%dma_wait3A] : memref<4112xi32, #tpu.memory_space<vmem>> -> memref<4096xi32, #tpu.memory_space<vmem>>
    %dma_wait3A_118 = arith.constant 0 : i32
    %dma_wait3A_119 = tpu.memref_slice %arg3[%dma_wait3A_118] : memref<3200000xi32, #tpu.memory_space<hbm>> -> memref<4096xi32, #tpu.memory_space<hbm>>
    %dma_wait3A_120 = arith.constant 0 : i32
    %dma_wait3A_121 = tpu.memref_slice %arg6[%dma_wait3A_120] : memref<4112xi32, #tpu.memory_space<vmem>> -> memref<4096xi32, #tpu.memory_space<vmem>>
    %dma_wait3A_122 = arith.constant 0 : i32
    %dma_wait3A_123 = tpu.memref_slice %arg3[%dma_wait3A_122] : memref<3200000xi32, #tpu.memory_space<hbm>> -> memref<4096xi32, #tpu.memory_space<hbm>>
    tpu.wait_dma2 semaphore(%arg11 : memref<!tpu.dma_semaphore, #tpu.memory_space<semaphore_mem>>) src(%dma_wait3A_123 : memref<4096xi32, #tpu.memory_space<hbm>>) dst(%dma_wait3A_121 : memref<4096xi32, #tpu.memory_space<vmem>>)
    %dma_wait3A_124 = arith.constant 0 : i32
    %dma_wait3A_125 = arith.constant 0 : i32
    %dma_wait3A_126 = arith.constant 0 : i32
    %dma_wait3A_127 = tpu.memref_slice %arg5[%dma_wait3A_124, %dma_wait3A_125, %dma_wait3A_126] : memref<33x4x128xf32, #tpu.memory_space<vmem>> -> memref<32x4x128xf32, #tpu.memory_space<vmem>>
    %dma_wait3A_128 = arith.constant 0 : i32
    %dma_wait3A_129 = arith.constant 0 : i32
    %dma_wait3A_130 = arith.constant 0 : i32
    %dma_wait3A_131 = tpu.memref_slice %arg2[%dma_wait3A_128, %dma_wait3A_129, %dma_wait3A_130] : memref<25000x4x128xf32, #tpu.memory_space<hbm>> -> memref<32x4x128xf32, #tpu.memory_space<hbm>>
    %dma_wait3A_132 = arith.constant 0 : i32
    %dma_wait3A_133 = arith.constant 0 : i32
    %dma_wait3A_134 = arith.constant 0 : i32
    %dma_wait3A_135 = tpu.memref_slice %arg5[%dma_wait3A_132, %dma_wait3A_133, %dma_wait3A_134] : memref<33x4x128xf32, #tpu.memory_space<vmem>> -> memref<32x4x128xf32, #tpu.memory_space<vmem>>
    %dma_wait3A_136 = arith.constant 0 : i32
    %dma_wait3A_137 = arith.constant 0 : i32
    %dma_wait3A_138 = arith.constant 0 : i32
    %dma_wait3A_139 = tpu.memref_slice %arg2[%dma_wait3A_136, %dma_wait3A_137, %dma_wait3A_138] : memref<25000x4x128xf32, #tpu.memory_space<hbm>> -> memref<32x4x128xf32, #tpu.memory_space<hbm>>
    tpu.wait_dma2 semaphore(%arg11 : memref<!tpu.dma_semaphore, #tpu.memory_space<semaphore_mem>>) src(%dma_wait3A_139 : memref<32x4x128xf32, #tpu.memory_space<hbm>>) dst(%dma_wait3A_135 : memref<32x4x128xf32, #tpu.memory_space<vmem>>)
    %dma_wait3A_140 = arith.constant 0 : i32
    %dma_wait3A_141 = tpu.memref_slice %arg8[%dma_wait3A_140] : memref<4112xi32, #tpu.memory_space<vmem>> -> memref<4096xi32, #tpu.memory_space<vmem>>
    %dma_wait3A_142 = arith.constant 0 : i32
    %dma_wait3A_143 = tpu.memref_slice %arg3[%dma_wait3A_142] : memref<3200000xi32, #tpu.memory_space<hbm>> -> memref<4096xi32, #tpu.memory_space<hbm>>
    %dma_wait3A_144 = arith.constant 0 : i32
    %dma_wait3A_145 = tpu.memref_slice %arg8[%dma_wait3A_144] : memref<4112xi32, #tpu.memory_space<vmem>> -> memref<4096xi32, #tpu.memory_space<vmem>>
    %dma_wait3A_146 = arith.constant 0 : i32
    %dma_wait3A_147 = tpu.memref_slice %arg3[%dma_wait3A_146] : memref<3200000xi32, #tpu.memory_space<hbm>> -> memref<4096xi32, #tpu.memory_space<hbm>>
    tpu.wait_dma2 semaphore(%arg12 : memref<!tpu.dma_semaphore, #tpu.memory_space<semaphore_mem>>) src(%dma_wait3A_147 : memref<4096xi32, #tpu.memory_space<hbm>>) dst(%dma_wait3A_145 : memref<4096xi32, #tpu.memory_space<vmem>>)
    %dma_wait3A_148 = arith.constant 0 : i32
    %dma_wait3A_149 = arith.constant 0 : i32
    %dma_wait3A_150 = arith.constant 0 : i32
    %dma_wait3A_151 = tpu.memref_slice %arg7[%dma_wait3A_148, %dma_wait3A_149, %dma_wait3A_150] : memref<33x4x128xf32, #tpu.memory_space<vmem>> -> memref<32x4x128xf32, #tpu.memory_space<vmem>>
    %dma_wait3A_152 = arith.constant 0 : i32
    %dma_wait3A_153 = arith.constant 0 : i32
    %dma_wait3A_154 = arith.constant 0 : i32
    %dma_wait3A_155 = tpu.memref_slice %arg2[%dma_wait3A_152, %dma_wait3A_153, %dma_wait3A_154] : memref<25000x4x128xf32, #tpu.memory_space<hbm>> -> memref<32x4x128xf32, #tpu.memory_space<hbm>>
    %dma_wait3A_156 = arith.constant 0 : i32
    %dma_wait3A_157 = arith.constant 0 : i32
    %dma_wait3A_158 = arith.constant 0 : i32
    %dma_wait3A_159 = tpu.memref_slice %arg7[%dma_wait3A_156, %dma_wait3A_157, %dma_wait3A_158] : memref<33x4x128xf32, #tpu.memory_space<vmem>> -> memref<32x4x128xf32, #tpu.memory_space<vmem>>
    %dma_wait3A_160 = arith.constant 0 : i32
    %dma_wait3A_161 = arith.constant 0 : i32
    %dma_wait3A_162 = arith.constant 0 : i32
    %dma_wait3A_163 = tpu.memref_slice %arg2[%dma_wait3A_160, %dma_wait3A_161, %dma_wait3A_162] : memref<25000x4x128xf32, #tpu.memory_space<hbm>> -> memref<32x4x128xf32, #tpu.memory_space<hbm>>
    tpu.wait_dma2 semaphore(%arg12 : memref<!tpu.dma_semaphore, #tpu.memory_space<semaphore_mem>>) src(%dma_wait3A_163 : memref<32x4x128xf32, #tpu.memory_space<hbm>>) dst(%dma_wait3A_159 : memref<32x4x128xf32, #tpu.memory_space<vmem>>)
    %scan3A_164 = arith.constant 0 : i32
    %scan3A_165 = arith.constant 0 : i32
    %scan3A_166 = arith.constant 782 : i32
    %scan3A_167 = arith.addi %scan3A_165, %scan3A_166 : i32
    %scan3A_168 = arith.constant 1 : i32
    %scan3A_169 = scf.for %scan3A_186 = %scan3A_165 to %scan3A_167 step %scan3A_168 iter_args(%scan3A_187 = %scan3A_164) -> (i32)  : i32 {
      %mul3A_188 = arith.constant 16 : i32
      %mul3A_189 = arith.muli %scan3A_186, %mul3A_188 : i32
      %get3A = arith.index_cast %mul3A_189 : i32 to index
      %get3A_190 = tpu.vector_load %arg9[%get3A] {strides = array<i32>} : memref<50048xf32, #tpu.memory_space<vmem>>, vector<16xf32>,
      %mul3A_191 = arith.constant 16 : i32
      %mul3A_192 = arith.muli %scan3A_186, %mul3A_191 : i32
      %add3A_193 = arith.constant 12512 : i32
      %add3A_194 = arith.addi %add3A_193, %mul3A_192 : i32
      %get3A_195 = arith.index_cast %add3A_194 : i32 to index
      %get3A_196 = tpu.vector_load %arg9[%get3A_195] {strides = array<i32>} : memref<50048xf32, #tpu.memory_space<vmem>>, vector<16xf32>,
      %min3A_197 = arith.minimumf %get3A_190, %get3A_196 : vector<16xf32>
      %mul3A_198 = arith.constant 16 : i32
      %mul3A_199 = arith.muli %scan3A_186, %mul3A_198 : i32
      %add3A_200 = arith.constant 25024 : i32
      %add3A_201 = arith.addi %add3A_200, %mul3A_199 : i32
      %get3A_202 = arith.index_cast %add3A_201 : i32 to index
      %get3A_203 = tpu.vector_load %arg9[%get3A_202] {strides = array<i32>} : memref<50048xf32, #tpu.memory_space<vmem>>, vector<16xf32>,
      %mul3A_204 = arith.constant 16 : i32
      %mul3A_205 = arith.muli %scan3A_186, %mul3A_204 : i32
      %add3A_206 = arith.constant 37536 : i32
      %add3A_207 = arith.addi %add3A_206, %mul3A_205 : i32
      %get3A_208 = arith.index_cast %add3A_207 : i32 to index
      %get3A_209 = tpu.vector_load %arg9[%get3A_208] {strides = array<i32>} : memref<50048xf32, #tpu.memory_space<vmem>>, vector<16xf32>,
      %min3A_210 = arith.minimumf %get3A_203, %get3A_209 : vector<16xf32>
      %min3A_211 = arith.minimumf %min3A_197, %min3A_210 : vector<16xf32>
      %mul3A_212 = arith.constant 16 : i32
      %mul3A_213 = arith.muli %scan3A_186, %mul3A_212 : i32
      %swap3A = arith.index_cast %mul3A_213 : i32 to index
      %swap3A_214 = tpu.vector_load %arg9[%swap3A] {strides = array<i32>} : memref<50048xf32, #tpu.memory_space<vmem>>, vector<16xf32>,
      tpu.vector_store %arg9[%swap3A], %min3A_211 {strides = array<i32>} : memref<50048xf32, #tpu.memory_space<vmem>>, vector<16xf32>,
      %scan3A_215 = arith.constant 0 : i32
      scf.yield %scan3A_215 : i32
    }
    %scan3A_170 = arith.constant 782 : i32
    %mul3A_171 = arith.constant 12512 : i32
    %mul3A_172 = arith.muli %add3A, %mul3A_171 : i32
    %multiple_of3A_173 = tpu.assume_multiple %mul3A_172, 16 : i32
    %dma_start3A_174 = arith.constant 0 : i32
    %dma_start3A_175 = tpu.memref_slice %arg9[%dma_start3A_174] : memref<50048xf32, #tpu.memory_space<vmem>> -> memref<12512xf32, #tpu.memory_space<vmem>>
    %dma_start3A_176 = tpu.memref_slice %arg4[%multiple_of3A_173] : memref<400384xf32, #tpu.memory_space<hbm>> -> memref<12512xf32, #tpu.memory_space<hbm>>
    %dma_start3A_177 = tpu.memref_slice %arg4[%multiple_of3A_173] : memref<400384xf32, #tpu.memory_space<hbm>> -> memref<12512xf32, #tpu.memory_space<hbm>>
    %dma_start3A_178 = arith.constant 0 : i32
    %dma_start3A_179 = tpu.memref_slice %arg9[%dma_start3A_178] : memref<50048xf32, #tpu.memory_space<vmem>> -> memref<12512xf32, #tpu.memory_space<vmem>>
    tpu.enqueue_dma source(%dma_start3A_179 : memref<12512xf32, #tpu.memory_space<vmem>>) target(%dma_start3A_177 : memref<12512xf32, #tpu.memory_space<hbm>>) target_semaphore(%arg13 : memref<!tpu.dma_semaphore, #tpu.memory_space<semaphore_mem>>)
    %dma_wait3A_180 = arith.constant 0 : i32
    %dma_wait3A_181 = tpu.memref_slice %arg9[%dma_wait3A_180] : memref<50048xf32, #tpu.memory_space<vmem>> -> memref<12512xf32, #tpu.memory_space<vmem>>
    %dma_wait3A_182 = tpu.memref_slice %arg4[%multiple_of3A_173] : memref<400384xf32, #tpu.memory_space<hbm>> -> memref<12512xf32, #tpu.memory_space<hbm>>
    %dma_wait3A_183 = tpu.memref_slice %arg4[%multiple_of3A_173] : memref<400384xf32, #tpu.memory_space<hbm>> -> memref<12512xf32, #tpu.memory_space<hbm>>
    %dma_wait3A_184 = arith.constant 0 : i32
    %dma_wait3A_185 = tpu.memref_slice %arg9[%dma_wait3A_184] : memref<50048xf32, #tpu.memory_space<vmem>> -> memref<12512xf32, #tpu.memory_space<vmem>>
    tpu.wait_dma2 semaphore(%arg13 : memref<!tpu.dma_semaphore, #tpu.memory_space<semaphore_mem>>) src(%dma_wait3A_185 : memref<12512xf32, #tpu.memory_space<vmem>>) dst(%dma_wait3A_183 : memref<12512xf32, #tpu.memory_space<hbm>>)
    return
  }
}

</mosaic_0001>

<sc_bundles>
// kernel: _segment_min_sc.3.cloned.1.call-start
scs
__scs_entry_jumppad:
0x0: {  	(pc) =	sbr.rel $0x88, $3  }
0x1: {  	(tag) =	ssettag $0x0;
	lr =	simm.s32 $0x1  }
0x2: {  	[smem:$0x3F9F] =	sst lr;
	_ =	strace $0xD0000000  }
0x3: {  	_ = 	snop  }
0x4: {  	_ = 	snop  }
0x5: {  	_ = 	snop  }
0x6: {  	_ = 	snop  }
0x7: {  	_ = 	snop  }
__scs_overlays_trampoline_lowered:
0x8: {  	[smem:$0x3FAE] =	sst s0  }
0x9: {  	[smem:$0x3FAF] =	sst s1  }
0xa: {  	[smem:$0x3FB0] =	sst s2  }
0xb: {  	[smem:$0x3FB1] =	sst s3  }
0xc: {  	[smem:$0x3FB2] =	sst s4  }
0xd: {  	[smem:$0x3FB3] =	sst s5  }
0xe: {  	[smem:$0x3FB4] =	sst s6  }
0xf: {  	[smem:$0x3FB5] =	sst s7  }
0x10: {  	[smem:$0x3FB6] =	sst s8  }
0x11: {  	[smem:$0x3FB7] =	sst s9;
	s0 =	simm.s32 @!p0 $0x0  }
0x12: {  	s1 =	sld [smem:$0x3F9D];
	s0 =	simm.s32 @p0 $0x1  }
0x13: {  	[smem:$0x3FB8] =	sst s0;
	s0 =	simm.s32 @!p1 $0x0  }
0x14: {  	s2 =	sld [smem:$0x3F9C];
	s0 =	simm.s32 @p1 $0x1  }
0x15: {  	[smem:$0x3FB9] =	sst s0;
	s0 =	simm.s32 @!p2 $0x0  }
0x16: {  	s3 =	sld [smem:$0x3FDB];
	s0 =	simm.s32 @p2 $0x1  }
0x17: {  	s4 =	simm.s32 $0x1BF5;
	[smem:$0x3FBB] =	sst s0  }
0x18: {  	s0 =	sld [smem:$0x3F9E];
	_ =	swait.ge [sflag:s4], $0x0  }
0x19: {  	s7 =	sld [smem:$0x3F9F]  }
0x1a: {  	s8 =	sadd.s32 $0xFFFFE003, lr  }
0x1b: {  	s9 =	sadd.s32 $0xFFFFFEF7, lr;
	s5 =	simm.s32 $0xFFFFFFFF;
	p2 =	slt.u32 s8, $0xFFFFF086  }
0x1c: {  	p1 =	slt.u32 s9, $0xF7A;
	s5 =	simm.s32 @!p2 $0x0  }
0x1d: {  	s5 =	simm.s32 @p1 $0x1;
	p0 =	seq.s32 s7, s2  }
0x1e: {  	s7 =	smul.u32 @!p0 $0xF7A, s2;
	p2 =	seq.s32 @!p0 s5, $0x0  }
0x1f: {  	s9 =	smul.u32 $0xF7A, s1;
	s8 =	simm.s32 @!p0 $0x1BF5;
	p2 =	por !p2, p0  }
0x20: {  	[sflag:s8] =	ssyncset.s32 @!p0 $0xFFFFF086;
	s6 =	sadd.s32 @!p0 s3, s7;
	s7 =	simm.s32 @!p0 $0x108  }
0x21: {  	s3 =	sadd.s32 s3, s9;
	s6 =	sadd.s32 @!p0 $0x88, s6;
	s7 =	simm.s32 @p2 $0x1082  }
0x22: {  	[simem:s7], [sflag:s8] =	dma.local @!p0 [hbm:s6], $0xF7A  }
0x23: {  	s9 =	sor.u32 $0xD0000000, s2;
	s6 =	simm.s32 $0x108;
	_ =	swait.ge @!p0 [sflag:s8], $0x0  }
0x24: {  	s3 =	sadd.s32 $0x88, s3;
	s6 =	simm.s32 @!p1 $0x1082;
	[sflag:s4] =	ssyncset.s32 $0xFFFFF086  }
0x25: {  	[simem:s6], [sflag:s4] =	dma.local [hbm:s3], $0xF7A  }
0x26: {  	[smem:$0x3F9F] =	sst s1;
	(tag) =	ssettag s2;
	_ =	strace s9  }
0x27: {  	s1 =	sld [smem:$0x3FAF]  }
0x28: {  	s2 =	sld [smem:$0x3FB0]  }
0x29: {  	s4 =	sld [smem:$0x3FB2]  }
0x2a: {  	p0 =	seq.s32 s5, $0x0;
	s5 =	sld [smem:$0x3FB3]  }
0x2b: {  	s6 =	sld [smem:$0x3FB4]  }
0x2c: {  	s7 =	sld [smem:$0x3FB5]  }
0x2d: {  	s3 =	simm.s32 $0x108;
	s8 =	sld [smem:$0x3FB6]  }
0x2e: {  	s3 =	simm.s32 @!p0 $0x1082;
	s9 =	sld [smem:$0x3FB7]  }
0x2f: {  	lr =	sadd.s32 s0, s3;
	s0 =	sld [smem:$0x3FAE]  }
0x30: {  	s3 =	sld [smem:$0x3FB1]  }
0x31: {  	[smem:$0x3FBA] =	sst s10  }
0x32: {  	s10 =	sld [smem:$0x3FB8];
	_ =	sdelay $0x3  }
0x33: {  	p0 =	seq.s32 s10, $0x1;
	s10 =	sld [smem:$0x3FBA];
	_ =	sdelay $0x3  }
0x34: {  	[smem:$0x3FBA] =	sst s10  }
0x35: {  	s10 =	sld [smem:$0x3FB9];
	_ =	sdelay $0x3  }
0x36: {  	p1 =	seq.s32 s10, $0x1;
	s10 =	sld [smem:$0x3FBA];
	_ =	sdelay $0x3  }
0x37: {  	[smem:$0x3FBA] =	sst s10  }
0x38: {  	s10 =	sld [smem:$0x3FBB]  }
0x39: {  	_ = 	snop;
	(pc) =	sbr.ind lr, $3  }
0x3a: {  	_ = 	snop  }
0x3b: {  	_ = 	snop  }
0x3c: {  	p2 =	seq.s32 s10, $0x1;
	s10 =	sld [smem:$0x3FBA]  }
0x3d: {  	_ =	shalt  }
0x3e: {  	_ =	shalt  }
0x3f: {  	_ =	shalt  }
0x40: {  	_ =	shalt  }
0x41: {  	_ =	shalt  }
0x42: {  	_ =	shalt  }
0x43: {  	_ =	shalt  }
0x44: {  	_ =	shalt  }
0x45: {  	_ =	shalt  }
0x46: {  	_ =	shalt  }
0x47: {  	_ =	shalt  }
0x48: {  	_ =	shalt  }
0x49: {  	_ =	shalt  }
0x4a: {  	_ =	shalt  }
0x4b: {  	_ =	shalt  }
0x4c: {  	_ =	shalt  }
0x4d: {  	_ =	shalt  }
0x4e: {  	_ =	shalt  }
0x4f: {  	_ =	shalt  }
0x50: {  	_ =	shalt  }
0x51: {  	_ =	shalt  }
0x52: {  	_ =	shalt  }
0x53: {  	_ =	shalt  }
0x54: {  	_ =	shalt  }
0x55: {  	_ =	shalt  }
0x56: {  	_ =	shalt  }
0x57: {  	_ =	shalt  }
0x58: {  	_ =	shalt  }
0x59: {  	_ =	shalt  }
0x5a: {  	_ =	shalt  }
0x5b: {  	_ =	shalt  }
0x5c: {  	_ =	shalt  }
0x5d: {  	_ =	shalt  }
0x5e: {  	_ =	shalt  }
0x5f: {  	_ =	shalt  }
0x60: {  	_ =	shalt  }
0x61: {  	_ =	shalt  }
0x62: {  	_ =	shalt  }
0x63: {  	_ =	shalt  }
0x64: {  	_ =	shalt  }
0x65: {  	_ =	shalt  }
0x66: {  	_ =	shalt  }
0x67: {  	_ =	shalt  }
0x68: {  	_ =	shalt  }
0x69: {  	_ =	shalt  }
0x6a: {  	_ =	shalt  }
0x6b: {  	_ =	shalt  }
0x6c: {  	_ =	shalt  }
0x6d: {  	_ =	shalt  }
0x6e: {  	_ =	shalt  }
0x6f: {  	_ =	shalt  }
0x70: {  	_ =	shalt  }
0x71: {  	_ =	shalt  }
0x72: {  	_ =	shalt  }
0x73: {  	_ =	shalt  }
0x74: {  	_ =	shalt  }
0x75: {  	_ =	shalt  }
0x76: {  	_ =	shalt  }
0x77: {  	_ =	shalt  }
0x78: {  	_ =	shalt  }
0x79: {  	_ =	shalt  }
0x7a: {  	_ =	shalt  }
0x7b: {  	_ =	shalt  }
0x7c: {  	_ =	shalt  }
0x7d: {  	_ =	shalt  }
0x7e: {  	_ =	shalt  }
0x7f: {  	_ =	shalt  }
0x80: {  	_ =	shalt  }
0x81: {  	_ =	shalt  }
0x82: {  	_ =	shalt  }
0x83: {  	_ =	shalt  }
0x84: {  	_ =	shalt  }
0x85: {  	_ =	shalt  }
0x86: {  	_ =	shalt  }
0x87: {  	_ =	shalt  }
.Lfunc_end0:
.L_simem_size_0:
called_computation_lowered:
.L_overlay_start_0:
0x88: {  	s2 =	sld [smem:$0x3FD9]  }
0x89: {  	s3 =	sld [smem:$0x3FFE];
	_ =	sdelay $0x1  }
0x8a: {  	s1 =	srdreg.scid  }
0x8b: {  	s0 =	sand.u32 $0x1, s1  }
0x8c: {  	s18 =	sshll.u32 s0, $0xA;
	s2 =	sadd.s32 s3, s2  }
0x8d: {  	s2 =	sadd.s32 s2, s18  }
0x8e: {  	[smem:$0x3FC6] =	sst s2  }
0x8f: {  	_ = 	snop  }
0x90: {  	s2 =	sld [smem:$0x3FC9]  }
0x91: {  	s19 =	sld [smem:$0x3FC8]  }
0x92: {  	s4 =	sld [smem:$0x3FD0];
	(tm) =	ssettm $0x1  }
0x93: {  	s5 =	sld [smem:$0x3FFB];
	_ =	sdelay $0x3  }
0x94: {  	_ =	strace s5  }
0x95: {  	s5 =	sld [smem:$0x3FFC];
	_ =	sdelay $0x3  }
0x96: {  	_ =	strace s5  }
0x97: {  	s5 =	sld [smem:$0x3FFD];
	_ =	sdelay $0x3  }
0x98: {  	_ =	strace s5  }
0x99: {  	_ =	strace $0x8FFFFFFF  }
0x9a: {  	s20 =	sld [smem:$0x3FDB];
	_ =	sdelay $0x1  }
0x9b: {  	s6 =	simm.s32 $_scs_section_size  }
0x9c: {  	s7 =	simm.s32 $_size__tile_overlayer_lowered;
	s8 =	simm.s32 $_tile_overlayer_lowered  }
0x9d: {  	s23 =	simm.s32 $0x1BFF;
	s22 =	sshll.u32 s8, $0x1;
	s5 =	sadd.s32 s6, s20  }
0x9e: {  	s9 =	simm.s32 $0x0;
	s21 =	sshll.u32 s7, $0x1;
	s7 =	sadd.s32 s22, s5  }
0x9f: {  	[timem:s9], [sflag:s23] =	dma.local [hbm:s7], s21  }
0xa0: {  	_ =	swait.ge [sflag:s23], s21  }
0xa1: {  	s6 =	ssub.s32 $0x0, s21;
	[sflag:s23] =	ssyncset.done $0x0  }
0xa2: {  	[sflag:s23] =	ssyncadd.s32 s6;
	_ =	sdelay $0x1  }
0xa3: {  	s24 =	simm.s32 $0x1B8B  }
0xa4: {  	_ =	swait.ge [sflag:s24], $0x1  }
0xa5: {  	[sflag:s24] =	ssyncset.done $0x0  }
0xa6: {  	s25 =	simm.s32 $0x1B8E;
	[sflag:s24] =	ssyncadd.s32 $0xFFFFFFFF  }
0xa7: {  	s26 =	simm.s32 $execute0_lowered;
	[smem:$0x3FD2] =	sst s25  }
0xa8: {  	s6 =	sshll.u32 s26, $0x1;
	_ =	strace $0x80000046;
	[dreg:$0x1] =	wrdreg $0xFFFFFFFF  }
0xa9: {  	s28 =	simm.s32 $_size_execute0_lowered;
	s5 =	sadd.s32 s5, s6;
	[dreg:$0x0] =	wrdreg $0x0  }
0xaa: {  	s6 =	sshll.u32 s28, $0x1;
	[dreg:$0x2] =	wrdreg s5  }
0xab: {  	[dreg:$0x3] =	wrdreg s6  }
0xac: {  	[dreg:$0x4] =	wrdreg $0xC0  }
0xad: {  	_ =	task [dreg:s9], $0x5FFFF  }
0xae: {  	[dreg:$0x1] =	wrdreg $0xFFFFFFFF  }
0xaf: {  	[dreg:$0x0] =	wrdreg $0x60  }
0xb0: {  	[dreg:$0x2] =	wrdreg s2  }
0xb1: {  	[dreg:$0x3] =	wrdreg s19  }
0xb2: {  	[dreg:$0x4] =	wrdreg s4  }
0xb3: {  	[dreg:$0x5] =	wrdreg $0x9  }
0xb4: {  	_ =	task.clear_ibuf [dreg:s9], $0x6FFFF;
	_ =	strace $0x90000046  }
0xb5: {  	s29 =	simm.s32 $0x9;
	_ =	strace $0x80000048  }
0xb6: {  	_ =	swait.ge [sflag:s29], $0x1  }
0xb7: {  	[sflag:s29] =	ssyncadd.s32 $0xFFFFFFFF  }
0xb8: {  	_ =	strace $0x90000048  }
0xb9: {  	_ =	sfence  }
0xba: {  	s30 =	sld [smem:$0x0];
	_ =	sdelay $0x2  }
0xbb: {  	s31 =	sshll.u32 s1, $0xD;
	s1 =	sshrl.u32 s1, $0x2  }
0xbc: {  	s3 =	sand.u32 $0x4000, s31;
	s1 =	sadd.s32 s1, s30  }
0xbd: {  	s0 =	sor.u32 s3, s0;
	s1 =	sshll.u32 s1, $0x11  }
0xbe: {  	s0 =	sor.u32 s1, s0  }
0xbf: {  	s0 =	sadd.s32 $0x8F2B, s0  }
0xc0: {  	[sflag:s0] =	ssyncadd.remote.s32 $0x1  }
0xc1: {  	_ =	sfence.sel $0xFFFF  }
0xc2: {  	[dreg:$0x0] =	wrdreg $0xFFFFFFFF;
	(pc) =	sbr.abs _section_cstart, $3  }
0xc3: {  	[dreg:$0x1] =	wrdreg $0xFFFFFFFF  }
0xc4: {  	_ =	task.clear_ibuf [dreg:s9], $0x2FFFF;
	_ =	strace $0x9FFFFFFF  }
0xc5: {  	(tm) =	ssettm $0x7FFFFFFF  }
tec
execute0_lowered:
.L_overlay_start_1:
0x0: {  	(tag) =	ssettag $0x1  }
0x1: {  	v2 =	vimm.f32 $+Inf  }
0x2: {  	v4 =	vlaneseq.u32;
	v5 =	vimm.s32 $0x183;
	vm0 =	vcmask $0x300  }
0x3: {  	vm1 =	vcmask $0x704;
	v6 =	vimm.s32 $0x187;
	vm2 =	vcmask $0xB08  }
0x4: {  	vm4 =	vcmask $0xF0C;
	vm5 =	vcmask $0x1310;
	vm6 =	vcmask $0x1714  }
0x5: {  	vm7 =	vcmask $0x1B18;
	v5 =	vsel vm0, $0x0, v5;
	v6 =	vsel vm0, $0x4, v6  }
0x6: {  	vm8 =	vcmask $0x1F1C;
	v5 =	vsel vm1, $0x80, v5;
	v6 =	vsel vm1, $0x84, v6  }
0x7: {  	vm9 =	vcmask $0x2320;
	v5 =	vsel vm2, $0x100, v5;
	v6 =	vsel vm2, $0x104, v6  }
0x8: {  	s3 =	rddreg [dreg:$0x0];
	vm10 =	vcmask $0x2724;
	v5 =	vsel vm4, $0x180, v5;
	v6 =	vsel vm4, $0x184, v6  }
0x9: {  	s4 =	rddreg [dreg:$0x1];
	vm11 =	vcmask $0x2B28;
	v5 =	vsel vm5, $0x1, v5;
	v6 =	vsel vm5, $0x5, v6  }
0xa: {  	s1 =	srdreg.scid;
	s9 =	rddreg [dreg:$0x2];
	vm12 =	vcmask $0x2F2C;
	v5 =	vsel vm6, $0x81, v5;
	v6 =	vsel vm6, $0x85, v6  }
0xb: {  	s0 =	stileid.u32;
	s5 =	rddreg [dreg:$0x3];
	vm13 =	vcmask $0x3330;
	v5 =	vsel vm7, $0x101, v5;
	v6 =	vsel vm7, $0x105, v6  }
0xc: {  	s6 =	simm.s32 $0x0;
	vm14 =	vcmask $0x3734;
	s11 =	simm.s32 $0x3;
	s12 =	simm.s32 $0x4200;
	v5 =	vsel vm8, $0x181, v5;
	v6 =	vsel vm8, $0x185, v6  }
0xd: {  	vm15 =	vcmask $0x3B38;
	s13 =	simm.s32 $0x9480;
	s7 =	sand.u32 $0x1, s1;
	s31 =	sshll.u32 s0, $0x1;
	v5 =	vsel vm9, $0x2, v5;
	v6 =	vsel vm9, $0x6, v6  }
0xe: {  	s14 =	simm.s32 $0x5280;
	s15 =	simm.s32 $0x1;
	v3 =	vshrl.u32 v4, $0x2;
	s8 =	sor.u32 s7, s31;
	v5 =	vsel vm10, $0x82, v5;
	v6 =	vsel vm10, $0x86, v6  }
0xf: {  	s16 =	simm.s32 $0x2;
	s17 =	simm.s32 $0xA500;
	v4 =	vand.u32 $0x3, v4;
	s1 =	smul.u32 $0xC38, s8;
	v5 =	vsel vm11, $0x102, v5;
	v6 =	vsel vm11, $0x106, v6  }
0x10: {  	s18 =	simm.s32 $0x0;
	s7 =	ssub.s32 $0x2, s7;
	v8 =	vmul.u32 $0x30E0, v3;
	s8 =	smul.u32 $0x61C, s8;
	v5 =	vsel vm12, $0x182, v5;
	v6 =	vsel vm12, $0x186, v6  }
0x11: {  	[smem:$0x7FF] =	sst s6;
	s10 =	sshrl.u32 s7, $0x1;
	s2 =	sadd.s32 $0xC38, s1;
	v0 =	vmov s1;
	v5 =	vsel vm13, $0x3, v5;
	v6 =	vsel vm13, $0x7, v6  }
0x12: {  	_ =	strace $0x80000047;
	s10 =	ssub.s32 s7, s10;
	s7 =	sadd.s32 s9, s8;
	v1 =	vmov s2;
	v5 =	vsel vm14, $0x83, v5;
	v7 =	vsel vm14, $0x87, v6  }
0x13: {  	s8 =	smax.u32 s10, $0x1;
	s9 =	simm.s32 $0x20000;
	s10 =	simm.s32 $0x16880;
	v6 =	vor.u32 $0x4, v3;
	v5 =	vsel vm15, $0x103, v5;
	v7 =	vsel vm15, $0x107, v7  }
.LBB2_1:
0x14: {  	s19 =	simm.s32 $0x20000;
	p0 =	por $0x1, $0x1  }
0x15: {  	s19 =	simm.s32 @!p0 $0x30D40  }
0x16: {  	s20 =	sshll.u32 s19, $0x4  }
0x17: {  	s20 =	sadd.s32 $0xFFFFFFF0, s20  }
0x18: {  	s20 =	sshrl.u32 s20, $0x3  }
0x19: {  	s20 =	sadd.s32 s4, s20  }
0x1a: {  	[tilespmem:s10], [sflag:$0x3] =	stream.linear.gather [hbm4b:s20+s6], $0x10, $0x38;
	[tilespmem:$0x16900] =	vst v63  }
0x1b: {  	_ =	swait.ge [sflag:s11], $0x10  }
0x1c: {  	[sflag:s11] =	ssyncset.done $0x0  }
0x1d: {  	[sflag:s11] =	ssyncadd.s32 $0xFFFFFFF0  }
0x1e: {  	v9 =	vld [tilespmem:$0x16880];
	_ =	sdelay $0x4  }
0x1f: {  	(v2sf) =	vpush v9, $0x0;
	_ =	sdelay $0xe  }
0x20: {  	s21 =	simm.s32 $0x1;
	s31 =	spop (v2sf)  }
0x21: {  	s22 =	simm.s32 $0x2;
	s23 =	simm.s32 $0x0;
	p0 =	slt.s32 s31, s1  }
0x22: {  	p1 =	por $0x1, $0x1;
	s20 =	simm.s32 $0x0;
	s23 =	smov.u32 @p0 s19  }
.LBB2_2:
0x23: {  	s19 =	sshrl.u32 s9, s21  }
0x24: {  	s20 =	smov.u32 @p1 s23;
	s21 =	smov.u32 s22;
	s24 =	sadd.s32 $0x1, s22  }
0x25: {  	p0 =	sne.s32 s22, $0x11;
	s22 =	sadd.s32 s19, s20  }
0x26: {  	p1 =	slt.s32 s22, $0x30D40;
	s25 =	smov.u32 s22  }
0x27: {  	s25 =	simm.s32 @!p1 $0x30D40  }
0x28: {  	s19 =	sshll.u32 s25, $0x4  }
0x29: {  	s19 =	sadd.s32 $0xFFFFFFF0, s19  }
0x2a: {  	s19 =	sshrl.u32 s19, $0x3  }
0x2b: {  	s23 =	sadd.s32 s4, s19;
	s19 =	simm.s32 $0x0  }
0x2c: {  	[tilespmem:s10], [sflag:$0x3] =	stream.linear.gather [hbm4b:s23+s19], $0x10, $0x38;
	[tilespmem:$0x16900] =	vst v63  }
0x2d: {  	_ =	swait.ge [sflag:s11], $0x10  }
0x2e: {  	[sflag:s11] =	ssyncset.done $0x0  }
0x2f: {  	[sflag:s11] =	ssyncadd.s32 $0xFFFFFFF0  }
0x30: {  	v9 =	vld [tilespmem:$0x16880];
	_ =	sdelay $0x4  }
0x31: {  	(v2sf) =	vpush v9, $0x0;
	_ =	sdelay $0xc  }
.Ltmp0:
0x32: {  	(pc) =	sbr.rel @p0 .LBB2_2-.Ltmp0, $4  }
0x33: {  	_ = 	snop  }
0x34: {  	s23 =	spop (v2sf)  }
0x35: {  	p2 =	slt.s32 s23, s1;
	s23 =	smov.u32 s20  }
0x36: {  	p1 =	slt.s32 s22, $0x30D41;
	s22 =	smov.u32 s24;
	s23 =	smov.u32 @p2 s25  }
0x37: {  	s21 =	sshrl.u32 s9, s21;
	s20 =	smov.u32 @p1 s23  }
0x38: {  	s21 =	sadd.s32 s21, s20  }
0x39: {  	p0 =	slt.s32 s21, $0x30D40;
	s22 =	smov.u32 s21  }
0x3a: {  	s22 =	simm.s32 @!p0 $0x30D40  }
0x3b: {  	s30 =	sshll.u32 s22, $0x4  }
0x3c: {  	s23 =	sadd.s32 $0xFFFFFFF0, s30  }
0x3d: {  	s23 =	sshrl.u32 s23, $0x3  }
0x3e: {  	s23 =	sadd.s32 s4, s23  }
0x3f: {  	[tilespmem:s10], [sflag:$0x3] =	stream.linear.gather [hbm4b:s23+s19], $0x10, $0x38;
	[tilespmem:$0x16900] =	vst v63  }
0x40: {  	_ =	swait.ge [sflag:s11], $0x10  }
0x41: {  	[sflag:s11] =	ssyncset.done $0x0  }
0x42: {  	[sflag:s11] =	ssyncadd.s32 $0xFFFFFFF0  }
0x43: {  	v9 =	vld [tilespmem:$0x16880];
	_ =	sdelay $0x4  }
0x44: {  	(v2sf) =	vpush v9, $0x0;
	_ =	sdelay $0xe  }
0x45: {  	s31 =	spop (v2sf)  }
0x46: {  	s23 =	smov.u32 s20;
	p0 =	slt.s32 s31, s1  }
0x47: {  	p1 =	slt.s32 s21, $0x30D41;
	s23 =	smov.u32 @p0 s22  }
0x48: {  	s20 =	smov.u32 @p1 s23;
	p1 =	por $0x1, $0x1  }
.Ltmp1:
0x49: {  	_ = 	snop;
	(pc) =	sbr.rel @!p1 .LBB2_8-.Ltmp1, $3  }
0x4a: {  	_ =	sdelay $0x1  }
0x4b: {  	s24 =	simm.s32 $0x0  }
0x4c: {  	s21 =	simm.s32 $0x1;
	p0 =	por $0x0, $0x0;
	s22 =	simm.s32 $0x0  }
0x4d: {  	s22 =	simm.s32 $0x20000;
	p0 =	por $0x1, $0x1  }
0x4e: {  	s22 =	simm.s32 @!p0 $0x30D40  }
0x4f: {  	s23 =	sshll.u32 s22, $0x4  }
0x50: {  	s23 =	sadd.s32 $0xFFFFFFF0, s23  }
0x51: {  	s23 =	sshrl.u32 s23, $0x3  }
0x52: {  	s23 =	sadd.s32 s4, s23  }
0x53: {  	[tilespmem:s10], [sflag:$0x3] =	stream.linear.gather [hbm4b:s23+s6], $0x10, $0x38;
	[tilespmem:$0x16900] =	vst v63  }
0x54: {  	_ =	swait.ge [sflag:s11], $0x10  }
0x55: {  	[sflag:s11] =	ssyncset.done $0x0  }
0x56: {  	[sflag:s11] =	ssyncadd.s32 $0xFFFFFFF0  }
0x57: {  	v9 =	vld [tilespmem:$0x16880];
	_ =	sdelay $0x4  }
0x58: {  	(v2sf) =	vpush v9, $0x0;
	_ =	sdelay $0xb  }
0x59: {  	p1 =	por $0x1, $0x1  }
.Ltmp2:
0x5a: {  	_ = 	snop;
	(pc) =	sbr.rel @!p1 .LBB2_5-.Ltmp2, $4  }
0x5b: {  	_ = 	snop  }
0x5c: {  	s24 =	simm.s32 $0x2;
	s31 =	spop (v2sf)  }
0x5d: {  	p2 =	por $0x1, $0x1;
	s23 =	simm.s32 $0x0;
	p0 =	slt.s32 s31, s2  }
0x5e: {  	s23 =	smov.u32 @p0 s22;
	p0 =	por $0x1, $0x1;
	s22 =	simm.s32 $0x0  }
.LBB2_6:
0x5f: {  	s25 =	sshrl.u32 s9, s21  }
0x60: {  	s22 =	smov.u32 @p2 s23;
	s21 =	smov.u32 s24;
	s26 =	sadd.s32 $0x1, s24  }
0x61: {  	p1 =	sne.s32 s24, $0x11;
	s23 =	sadd.s32 s25, s22  }
0x62: {  	p2 =	slt.s32 s23, $0x30D40;
	s24 =	smov.u32 s23  }
0x63: {  	s24 =	simm.s32 @!p2 $0x30D40  }
0x64: {  	s25 =	sshll.u32 s24, $0x4  }
0x65: {  	s25 =	sadd.s32 $0xFFFFFFF0, s25  }
0x66: {  	s25 =	sshrl.u32 s25, $0x3  }
0x67: {  	s25 =	sadd.s32 s4, s25  }
0x68: {  	[tilespmem:s10], [sflag:$0x3] =	stream.linear.gather [hbm4b:s25+s6], $0x10, $0x38;
	[tilespmem:$0x16900] =	vst v63  }
0x69: {  	_ =	swait.ge [sflag:s11], $0x10  }
0x6a: {  	[sflag:s11] =	ssyncset.done $0x0  }
0x6b: {  	[sflag:s11] =	ssyncadd.s32 $0xFFFFFFF0  }
0x6c: {  	v9 =	vld [tilespmem:$0x16880];
	_ =	sdelay $0x4  }
0x6d: {  	(v2sf) =	vpush v9, $0x0;
	_ =	sdelay $0xc  }
.Ltmp3:
0x6e: {  	(pc) =	sbr.rel @p1 .LBB2_6-.Ltmp3, $4  }
0x6f: {  	_ = 	snop  }
0x70: {  	s25 =	spop (v2sf)  }
0x71: {  	p2 =	slt.s32 s23, $0x30D41;
	s23 =	smov.u32 s22;
	p3 =	slt.s32 s25, s2  }
0x72: {  	s23 =	smov.u32 @p3 s24;
	s24 =	smov.u32 s26  }
0x73: {  	s24 =	smov.u32 s21  }
.LBB2_8:
0x74: {  	p1 =	por !p2, !p0  }
0x75: {  	s23 =	smov.u32 @p1 s22  }
0x76: {  	s21 =	sshrl.u32 s9, s24;
	s19 =	smov.u32 @p0 s23  }
0x77: {  	s22 =	sadd.s32 s21, s19  }
0x78: {  	p0 =	slt.s32 s22, $0x30D40;
	s23 =	smov.u32 s22  }
0x79: {  	s23 =	simm.s32 @!p0 $0x30D40  }
0x7a: {  	s26 =	sshll.u32 s23, $0x4  }
0x7b: {  	s21 =	sadd.s32 $0xFFFFFFF0, s26  }
0x7c: {  	s21 =	sshrl.u32 s21, $0x3  }
0x7d: {  	s21 =	sadd.s32 s4, s21  }
0x7e: {  	[tilespmem:s10], [sflag:$0x3] =	stream.linear.gather [hbm4b:s21+s6], $0x10, $0x38;
	[tilespmem:$0x16900] =	vst v63  }
0x7f: {  	_ =	swait.ge [sflag:s11], $0x10  }
0x80: {  	[sflag:s11] =	ssyncset.done $0x0  }
0x81: {  	[sflag:s11] =	ssyncadd.s32 $0xFFFFFFF0  }
0x82: {  	v9 =	vld [tilespmem:$0x16880];
	_ =	sdelay $0x2  }
0x83: {  	p0 =	sgt.s32 s20, $0x1  }
0x84: {  	s20 =	simm.s32 @!p0 $0x1  }
0x85: {  	s20 =	sshll.u32 s20, $0x4;
	(v2sf) =	vpush v9, $0x0  }
0x86: {  	s20 =	sadd.s32 $0xFFFFFFF0, s20  }
0x87: {  	s21 =	sand.u32 $0xFFFFFF80, s20  }
0x88: {  	s20 =	smin.u32 s21, $0x30C400  }
0x89: {  	s28 =	sshrl.u32 s20, $0x3  }
0x8a: {  	s25 =	simm.s32 $0x0;
	s20 =	sshrl.u32 s20, $0x1;
	s24 =	sadd.s32 s4, s28  }
0x8b: {  	[tilespmem:s12], [sflag:$0x1] =	stream.linear.gather [hbm4b:s24+s25], $0x1000, $0x38;
	[tilespmem:$0x16900] =	vst v63  }
0x8c: {  	s29 =	smin.u32 s21, $0x30B400;
	s20 =	sadd.s32 s3, s20  }
0x8d: {  	[tilespmem:s25], [sflag:$0x1] =	stream.linear.gather [hbm4b:s20+s25], $0x4000, $0x38;
	[tilespmem:$0x16900] =	vst v63  }
0x8e: {  	s20 =	sadd.s32 $0x1000, s29  }
0x8f: {  	s30 =	sshrl.u32 s20, $0x3  }
0x90: {  	s20 =	sshrl.u32 s20, $0x1;
	s24 =	sadd.s32 s4, s30  }
0x91: {  	[tilespmem:s13], [sflag:$0x2] =	stream.linear.gather [hbm4b:s24+s25], $0x1000, $0x38;
	[tilespmem:$0x16900] =	vst v63  }
0x92: {  	s20 =	sadd.s32 s3, s20  }
0x93: {  	[tilespmem:s14], [sflag:$0x2] =	stream.linear.gather [hbm4b:s20+s25], $0x4000, $0x38;
	[tilespmem:$0x16900] =	vst v63  }
0x94: {  	s31 =	spop (v2sf)  }
0x95: {  	s20 =	smov.u32 s19;
	p0 =	slt.s32 s31, s2  }
0x96: {  	p1 =	slt.s32 s22, $0x30D41;
	s20 =	smov.u32 @p0 s23  }
0x97: {  	s22 =	simm.s32 $0x0;
	s19 =	smov.u32 @p1 s20;
	s20 =	simm.s32 $0x40  }
.LBB2_9:
0x98: {  	p0 =	seq.s32 s20, $0x30DC0;
	[tilespmem:s22+$0xA500] =	vst v2;
	s22 =	smov.u32 s20;
	s20 =	sadd.s32 $0x40, s20  }
.Ltmp4:
0x99: {  	(pc) =	sbr.rel @!p0 .LBB2_9-.Ltmp4, $2  }
0x9a: {  	_ =	sdelay $0x2  }
0x9b: {  	s22 =	sshra.s32 s22, $0x2  }
0x9c: {  	s19 =	sshll.u32 s19, $0x4  }
0x9d: {  	s19 =	sadd.s32 $0x70, s19  }
0x9e: {  	s19 =	sand.u32 $0x7FFFFF80, s19  }
0x9f: {  	s19 =	smin.u32 s19, $0x30D400  }
0xa0: {  	s19 =	ssub.s32 s19, s21  }
0xa1: {  	s19 =	sadd.s32 $0xF80, s19  }
0xa2: {  	s19 =	sshrl.u32 s19, $0xC  }
0xa3: {  	s19 =	sadd.s32 $0x1, s19  }
0xa4: {  	s19 =	sshrl.u32 s19, $0x1  }
0xa5: {  	p0 =	seq.s32 s19, $0x0  }
.Ltmp5:
0xa6: {  	_ = 	snop;
	(pc) =	sbr.rel @p0 .LBB2_17-.Ltmp5, $2  }
0xa7: {  	_ =	sdelay $0x2  }
0xa8: {  	[tilespmem:s22+$0xA500] =	vst v2  }
0xa9: {  	s20 =	sadd.s32 $0x2000, s21;
	s21 =	sadd.s32 $0x3000, s21;
	s22 =	simm.s32 $0x0  }
.LBB2_12:
0xaa: {  	_ =	swait.ge [sflag:s15], $0x1000  }
0xab: {  	[sflag:s15] =	ssyncset.done $0x0  }
0xac: {  	[sflag:s15] =	ssyncadd.s32 $0xFFFFF000  }
0xad: {  	_ =	swait.ge [sflag:s15], $0x4000  }
0xae: {  	[sflag:s15] =	ssyncset.done $0x0  }
0xaf: {  	[sflag:s15] =	ssyncadd.s32 $0xFFFFC000  }
0xb0: {  	v9 =	vld.idx.msk [tilespmem:v3+s12+$0x0], $0xffff;
	_ =	sdelay $0x4  }
0xb1: {  	v10 =	vsub.s32 v9, v0  }
0xb2: {  	v10 =	vshll.u32 v10, $0x2  }
0xb3: {  	v11 =	vld.idx.msk [tilespmem:v6+s12+$0x0], $0xffff;
	v10 =	vor.u32 v4, v10  }
0xb4: {  	vm0 =	vgt.s32 v10, $0x0  }
0xb5: {  	vm1 =	vge.s32 v9, v0;
	vm2 =	vlt.s32 v9, v1;
	v9 =	vnsel vm0, $0x0, v10  }
0xb6: {  	vm0 =	vmand vm1, vm2;
	v9 =	vmin.u32 v9, $0x30DF  }
0xb7: {  	v9 =	vadd.s32 v8, v9  }
0xb8: {  	v10 =	vsub.s32 v11, v0  }
0xb9: {  	v10 =	vshll.u32 v10, $0x2  }
0xba: {  	v10 =	vor.u32 v4, v10  }
0xbb: {  	v12 =	vld.idx.msk [tilespmem:v5+s6+$0x0], $0xffff;
	vm1 =	vgt.s32 v10, $0x0  }
0xbc: {  	vm3 =	vlt.s32 v11, v1;
	vm2 =	vge.s32 v11, v0;
	v10 =	vnsel vm1, $0x0, v10;
	v11 =	vld.idx.msk [tilespmem:v9+s17+$0x0], vm0  }
0xbd: {  	vm1 =	vmand vm2, vm3;
	v10 =	vmin.u32 v10, $0x30DF  }
0xbe: {  	v10 =	vadd.s32 v8, v10;
	_ =	sdelay $0x2  }
0xbf: {  	v11 =	vmin.f32 v11, v12  }
0xc0: {  	v13 =	vld.idx.msk [tilespmem:v7+s6+$0x0], $0xffff;
	[tilespmem:v9+s17+$0x0] =	vst.idx.msk vm0, v11  }
0xc1: {  	v9 =	vld.idx.msk [tilespmem:v10+s17+$0x0], vm1  }
0xc2: {  	s24 =	simm.s32 $0x8  }
0xc3: {  	s23 =	simm.s32 $0xC;
	v11 =	vor.u32 s24, v3  }
0xc4: {  	v12 =	vor.u32 s23, v3;
	_ =	sdelay $0x1  }
0xc5: {  	v9 =	vmin.f32 v9, v13  }
0xc6: {  	[tilespmem:v10+s17+$0x0] =	vst.idx.msk vm1, v9  }
0xc7: {  	v9 =	vld.idx.msk [tilespmem:v11+s12+$0x0], $0xffff  }
0xc8: {  	s26 =	simm.s32 $0x20;
	v11 =	vld.idx.msk [tilespmem:v12+s12+$0x0], $0xffff  }
0xc9: {  	s25 =	simm.s32 $0x30;
	s26 =	sand.u32 $0xFFFFFE00, s26  }
0xca: {  	s28 =	sand.u32 $0x7C, s23;
	s25 =	sand.u32 $0xFFFFFE00, s25;
	s24 =	sand.u32 $0x78, s24  }
0xcb: {  	s25 =	sor.u32 s28, s25;
	s24 =	sor.u32 s24, s26  }
0xcc: {  	v10 =	vor.u32 s24, v5;
	v12 =	vor.u32 s25, v5;
	v13 =	vsub.s32 v9, v0  }
0xcd: {  	vm0 =	vge.s32 v9, v0;
	v14 =	vsub.s32 v11, v0;
	v13 =	vshll.u32 v13, $0x2  }
0xce: {  	vm1 =	vlt.s32 v9, v1;
	v9 =	vor.u32 v4, v13;
	v13 =	vshll.u32 v14, $0x2  }
0xcf: {  	vm1 =	vmand vm0, vm1;
	vm0 =	vgt.s32 v9, $0x0;
	v13 =	vor.u32 v4, v13  }
0xd0: {  	vm2 =	vge.s32 v11, v0;
	v9 =	vnsel vm0, $0x0, v9;
	vm0 =	vgt.s32 v13, $0x0  }
0xd1: {  	v10 =	vld.idx.msk [tilespmem:v10+s6+$0x0], $0xffff;
	vm3 =	vlt.s32 v11, v1;
	v11 =	vmin.u32 v9, $0x30DF;
	v13 =	vnsel vm0, $0x0, v13  }
0xd2: {  	s24 =	simm.s32 $0x5;
	s25 =	simm.s32 $0x7;
	v9 =	vld.idx.msk [tilespmem:v12+s6+$0x0], $0xffff;
	vm0 =	vmand vm2, vm3;
	v11 =	vadd.s32 v8, v11;
	v12 =	vmin.u32 v13, $0x30DF  }
.LBB2_13:
0xd3: {  	p0 =	sne.s32 s25, $0x401;
	_ =	sdelay $0x3  }
0xd4: {  	v13 =	vld.idx.msk [tilespmem:v11+s17+$0x0], vm1;
	_ =	sdelay $0x2  }
0xd5: {  	v12 =	vadd.s32 v8, v12;
	_ =	sdelay $0x2  }
0xd6: {  	v10 =	vmin.f32 v13, v10  }
0xd7: {  	[tilespmem:v11+s17+$0x0] =	vst.idx.msk vm1, v10  }
0xd8: {  	v10 =	vld.idx.msk [tilespmem:v12+s17+$0x0], vm0  }
0xd9: {  	s26 =	sshll.u32 s24, $0x4;
	s23 =	sadd.s32 $0x8, s23;
	s24 =	smov.u32 s25  }
0xda: {  	s28 =	sadd.s32 $0xFFFFFFFC, s23;
	s29 =	sadd.s32 $0xFFFFFFF0, s26  }
0xdb: {  	s29 =	sand.u32 $0xFFFFFE00, s29;
	v11 =	vor.u32 s28, v3;
	s28 =	sand.u32 $0x78, s28  }
0xdc: {  	s26 =	sand.u32 $0xFFFFFE00, s26;
	v13 =	vor.u32 s23, v3;
	s28 =	sor.u32 s28, s29;
	s29 =	sand.u32 $0x7C, s23  }
0xdd: {  	v14 =	vor.u32 s28, v5;
	s26 =	sor.u32 s29, s26  }
0xde: {  	v15 =	vor.u32 s26, v5;
	v9 =	vmin.f32 v10, v9  }
0xdf: {  	[tilespmem:v12+s17+$0x0] =	vst.idx.msk vm0, v9  }
0xe0: {  	v11 =	vld.idx.msk [tilespmem:v11+s12+$0x0], $0xffff  }
0xe1: {  	v12 =	vld.idx.msk [tilespmem:v13+s12+$0x0], $0xffff  }
0xe2: {  	v10 =	vld.idx.msk [tilespmem:v14+s6+$0x0], $0xffff  }
0xe3: {  	v9 =	vld.idx.msk [tilespmem:v15+s6+$0x0], $0xffff;
	_ =	sdelay $0x2  }
0xe4: {  	vm0 =	vge.s32 v11, v0;
	vm1 =	vlt.s32 v11, v1;
	v11 =	vsub.s32 v11, v0  }
0xe5: {  	vm1 =	vmand vm0, vm1;
	v11 =	vshll.u32 v11, $0x2;
	v13 =	vsub.s32 v12, v0  }
.Ltmp6:
0xe6: {  	vm0 =	vge.s32 v12, v0;
	v11 =	vor.u32 v4, v11;
	v13 =	vshll.u32 v13, $0x2;
	(pc) =	sbr.rel @p0 .LBB2_13-.Ltmp6, $4  }
0xe7: {  	vm3 =	vlt.s32 v12, v1;
	vm2 =	vgt.s32 v11, $0x0;
	v12 =	vor.u32 v4, v13  }
0xe8: {  	vm0 =	vmand vm0, vm3;
	v11 =	vnsel vm2, $0x0, v11;
	vm2 =	vgt.s32 v12, $0x0  }
0xe9: {  	v11 =	vmin.u32 v11, $0x30DF;
	v12 =	vnsel vm2, $0x0, v12  }
0xea: {  	s25 =	sadd.s32 $0x2, s25;
	v11 =	vadd.s32 v8, v11;
	v12 =	vmin.u32 v12, $0x30DF  }
0xeb: {  	_ =	sdelay $0x4  }
0xec: {  	v13 =	vld.idx.msk [tilespmem:v11+s17+$0x0], vm1;
	_ =	sdelay $0x1  }
0xed: {  	v12 =	vadd.s32 v8, v12;
	_ =	sdelay $0x2  }
0xee: {  	v10 =	vmin.f32 v13, v10  }
0xef: {  	[tilespmem:v11+s17+$0x0] =	vst.idx.msk vm1, v10  }
0xf0: {  	v10 =	vld.idx.msk [tilespmem:v12+s17+$0x0], vm0  }
0xf1: {  	s23 =	sshll.u32 s22, $0xD  }
0xf2: {  	s24 =	sadd.s32 s23, s20  }
0xf3: {  	p0 =	slt.s32 s24, $0x30C400  }
0xf4: {  	s24 =	simm.s32 @!p0 $0x30C400  }
0xf5: {  	s25 =	sshrl.u32 s24, $0x3;
	v9 =	vmin.f32 v10, v9  }
0xf6: {  	s24 =	sshrl.u32 s24, $0x1;
	s25 =	sadd.s32 s4, s25;
	[tilespmem:v12+s17+$0x0] =	vst.idx.msk vm0, v9  }
0xf7: {  	[tilespmem:s12], [sflag:$0x1] =	stream.linear.gather [hbm4b:s25+s6], $0x1000, $0x38;
	[tilespmem:$0x16900] =	vst v63  }
0xf8: {  	s24 =	sadd.s32 s3, s24  }
0xf9: {  	[tilespmem:s6], [sflag:$0x1] =	stream.linear.gather [hbm4b:s24+s6], $0x4000, $0x38;
	[tilespmem:$0x16900] =	vst v63  }
0xfa: {  	_ =	swait.ge [sflag:s16], $0x1000  }
0xfb: {  	[sflag:s16] =	ssyncset.done $0x0  }
0xfc: {  	[sflag:s16] =	ssyncadd.s32 $0xFFFFF000  }
0xfd: {  	_ =	swait.ge [sflag:s16], $0x4000  }
0xfe: {  	[sflag:s16] =	ssyncset.done $0x0  }
0xff: {  	[sflag:s16] =	ssyncadd.s32 $0xFFFFC000  }
0x100: {  	v9 =	vld.idx.msk [tilespmem:v3+s13+$0x0], $0xffff;
	_ =	sdelay $0x4  }
0x101: {  	v10 =	vsub.s32 v9, v0  }
0x102: {  	v10 =	vshll.u32 v10, $0x2  }
0x103: {  	v11 =	vld.idx.msk [tilespmem:v6+s13+$0x0], $0xffff;
	v10 =	vor.u32 v4, v10  }
0x104: {  	vm0 =	vgt.s32 v10, $0x0  }
0x105: {  	vm1 =	vge.s32 v9, v0;
	vm2 =	vlt.s32 v9, v1;
	v9 =	vnsel vm0, $0x0, v10  }
0x106: {  	vm0 =	vmand vm1, vm2;
	v9 =	vmin.u32 v9, $0x30DF  }
0x107: {  	v9 =	vadd.s32 v8, v9  }
0x108: {  	v10 =	vsub.s32 v11, v0  }
0x109: {  	v10 =	vshll.u32 v10, $0x2  }
0x10a: {  	v10 =	vor.u32 v4, v10  }
0x10b: {  	v12 =	vld.idx.msk [tilespmem:v5+s14+$0x0], $0xffff;
	vm1 =	vgt.s32 v10, $0x0  }
0x10c: {  	vm3 =	vlt.s32 v11, v1;
	vm2 =	vge.s32 v11, v0;
	v10 =	vnsel vm1, $0x0, v10;
	v11 =	vld.idx.msk [tilespmem:v9+s17+$0x0], vm0  }
0x10d: {  	vm1 =	vmand vm2, vm3;
	v10 =	vmin.u32 v10, $0x30DF  }
0x10e: {  	v10 =	vadd.s32 v8, v10;
	_ =	sdelay $0x2  }
0x10f: {  	v11 =	vmin.f32 v11, v12  }
0x110: {  	v13 =	vld.idx.msk [tilespmem:v7+s14+$0x0], $0xffff;
	[tilespmem:v9+s17+$0x0] =	vst.idx.msk vm0, v11  }
0x111: {  	v9 =	vld.idx.msk [tilespmem:v10+s17+$0x0], vm1  }
0x112: {  	s31 =	simm.s32 $0x8  }
0x113: {  	s24 =	simm.s32 $0xC;
	v11 =	vor.u32 s31, v3  }
0x114: {  	v12 =	vor.u32 s24, v3;
	_ =	sdelay $0x1  }
0x115: {  	v9 =	vmin.f32 v9, v13  }
0x116: {  	[tilespmem:v10+s17+$0x0] =	vst.idx.msk vm1, v9  }
0x117: {  	v9 =	vld.idx.msk [tilespmem:v11+s13+$0x0], $0xffff  }
0x118: {  	s28 =	simm.s32 $0x20;
	v11 =	vld.idx.msk [tilespmem:v12+s13+$0x0], $0xffff  }
0x119: {  	s26 =	simm.s32 $0x30;
	s28 =	sand.u32 $0xFFFFFE00, s28  }
0x11a: {  	s26 =	sand.u32 $0xFFFFFE00, s26;
	s25 =	sand.u32 $0x78, s31;
	s29 =	sand.u32 $0x7C, s24  }
0x11b: {  	s25 =	sor.u32 s25, s28;
	s26 =	sor.u32 s29, s26  }
0x11c: {  	v10 =	vor.u32 s25, v5;
	v12 =	vor.u32 s26, v5;
	v13 =	vsub.s32 v9, v0  }
0x11d: {  	vm0 =	vge.s32 v9, v0;
	v14 =	vsub.s32 v11, v0;
	v13 =	vshll.u32 v13, $0x2  }
0x11e: {  	vm1 =	vlt.s32 v9, v1;
	v9 =	vor.u32 v4, v13;
	v13 =	vshll.u32 v14, $0x2  }
0x11f: {  	vm1 =	vmand vm0, vm1;
	vm0 =	vgt.s32 v9, $0x0;
	v13 =	vor.u32 v4, v13  }
0x120: {  	vm2 =	vge.s32 v11, v0;
	v9 =	vnsel vm0, $0x0, v9;
	vm0 =	vgt.s32 v13, $0x0  }
0x121: {  	v10 =	vld.idx.msk [tilespmem:v10+s14+$0x0], $0xffff;
	vm3 =	vlt.s32 v11, v1;
	v11 =	vmin.u32 v9, $0x30DF;
	v13 =	vnsel vm0, $0x0, v13  }
0x122: {  	s25 =	simm.s32 $0x5;
	s26 =	simm.s32 $0x7;
	v9 =	vld.idx.msk [tilespmem:v12+s14+$0x0], $0xffff;
	vm0 =	vmand vm2, vm3;
	v11 =	vadd.s32 v8, v11;
	v12 =	vmin.u32 v13, $0x30DF  }
.LBB2_15:
0x123: {  	p0 =	sne.s32 s26, $0x401;
	_ =	sdelay $0x3  }
0x124: {  	v13 =	vld.idx.msk [tilespmem:v11+s17+$0x0], vm1;
	_ =	sdelay $0x2  }
0x125: {  	v12 =	vadd.s32 v8, v12;
	_ =	sdelay $0x2  }
0x126: {  	v10 =	vmin.f32 v13, v10  }
0x127: {  	[tilespmem:v11+s17+$0x0] =	vst.idx.msk vm1, v10  }
0x128: {  	v10 =	vld.idx.msk [tilespmem:v12+s17+$0x0], vm0  }
0x129: {  	s28 =	sshll.u32 s25, $0x4;
	s24 =	sadd.s32 $0x8, s24;
	s25 =	smov.u32 s26  }
0x12a: {  	s29 =	sadd.s32 $0xFFFFFFFC, s24;
	s30 =	sadd.s32 $0xFFFFFFF0, s28  }
0x12b: {  	s30 =	sand.u32 $0xFFFFFE00, s30;
	v11 =	vor.u32 s29, v3;
	s29 =	sand.u32 $0x78, s29  }
0x12c: {  	s28 =	sand.u32 $0xFFFFFE00, s28;
	v13 =	vor.u32 s24, v3;
	s29 =	sor.u32 s29, s30;
	s30 =	sand.u32 $0x7C, s24  }
0x12d: {  	v14 =	vor.u32 s29, v5;
	s28 =	sor.u32 s30, s28  }
0x12e: {  	v15 =	vor.u32 s28, v5;
	v9 =	vmin.f32 v10, v9  }
0x12f: {  	[tilespmem:v12+s17+$0x0] =	vst.idx.msk vm0, v9  }
0x130: {  	v11 =	vld.idx.msk [tilespmem:v11+s13+$0x0], $0xffff  }
0x131: {  	v12 =	vld.idx.msk [tilespmem:v13+s13+$0x0], $0xffff  }
0x132: {  	v10 =	vld.idx.msk [tilespmem:v14+s14+$0x0], $0xffff  }
0x133: {  	v9 =	vld.idx.msk [tilespmem:v15+s14+$0x0], $0xffff;
	_ =	sdelay $0x2  }
0x134: {  	vm0 =	vge.s32 v11, v0;
	vm1 =	vlt.s32 v11, v1;
	v11 =	vsub.s32 v11, v0  }
0x135: {  	vm1 =	vmand vm0, vm1;
	v11 =	vshll.u32 v11, $0x2;
	v13 =	vsub.s32 v12, v0  }
.Ltmp7:
0x136: {  	vm0 =	vge.s32 v12, v0;
	v11 =	vor.u32 v4, v11;
	v13 =	vshll.u32 v13, $0x2;
	(pc) =	sbr.rel @p0 .LBB2_15-.Ltmp7, $4  }
0x137: {  	vm3 =	vlt.s32 v12, v1;
	vm2 =	vgt.s32 v11, $0x0;
	v12 =	vor.u32 v4, v13  }
0x138: {  	vm0 =	vmand vm0, vm3;
	v11 =	vnsel vm2, $0x0, v11;
	vm2 =	vgt.s32 v12, $0x0  }
0x139: {  	v11 =	vmin.u32 v11, $0x30DF;
	v12 =	vnsel vm2, $0x0, v12  }
0x13a: {  	s26 =	sadd.s32 $0x2, s26;
	v11 =	vadd.s32 v8, v11;
	v12 =	vmin.u32 v12, $0x30DF  }
0x13b: {  	_ =	sdelay $0x4  }
0x13c: {  	v13 =	vld.idx.msk [tilespmem:v11+s17+$0x0], vm1;
	_ =	sdelay $0x1  }
0x13d: {  	v12 =	vadd.s32 v8, v12;
	_ =	sdelay $0x2  }
0x13e: {  	v10 =	vmin.f32 v13, v10  }
0x13f: {  	[tilespmem:v11+s17+$0x0] =	vst.idx.msk vm1, v10  }
0x140: {  	v10 =	vld.idx.msk [tilespmem:v12+s17+$0x0], vm0;
	_ =	sdelay $0x1  }
0x141: {  	s23 =	sadd.s32 s23, s21  }
0x142: {  	s22 =	sadd.s32 $0x1, s22;
	p0 =	slt.s32 s23, $0x30C400  }
0x143: {  	s23 =	simm.s32 @!p0 $0x30C400;
	p0 =	sne.s32 s22, s19  }
.Ltmp8:
0x144: {  	s24 =	sshrl.u32 s23, $0x3;
	v9 =	vmin.f32 v10, v9;
	(pc) =	sbr.rel @p0 .LBB2_12-.Ltmp8, $4  }
0x145: {  	s23 =	sshrl.u32 s23, $0x1;
	s24 =	sadd.s32 s4, s24;
	[tilespmem:v12+s17+$0x0] =	vst.idx.msk vm0, v9  }
0x146: {  	[tilespmem:s13], [sflag:$0x2] =	stream.linear.gather [hbm4b:s24+s6], $0x1000, $0x38;
	[tilespmem:$0x16900] =	vst v63  }
0x147: {  	s23 =	sadd.s32 s3, s23  }
0x148: {  	[tilespmem:s14], [sflag:$0x2] =	stream.linear.gather [hbm4b:s23+s6], $0x4000, $0x38;
	[tilespmem:$0x16900] =	vst v63  }
.LBB2_17:
0x149: {  	_ =	swait.ge [sflag:s15], $0x1000  }
0x14a: {  	[sflag:s15] =	ssyncset.done $0x0  }
0x14b: {  	[sflag:s15] =	ssyncadd.s32 $0xFFFFF000  }
0x14c: {  	_ =	swait.ge [sflag:s15], $0x4000  }
0x14d: {  	[sflag:s15] =	ssyncset.done $0x0  }
0x14e: {  	[sflag:s15] =	ssyncadd.s32 $0xFFFFC000  }
0x14f: {  	_ =	swait.ge [sflag:s16], $0x1000  }
0x150: {  	[sflag:s16] =	ssyncset.done $0x0  }
0x151: {  	[sflag:s16] =	ssyncadd.s32 $0xFFFFF000  }
0x152: {  	_ =	swait.ge [sflag:s16], $0x4000  }
0x153: {  	[sflag:s16] =	ssyncset.done $0x0  }
0x154: {  	s19 =	simm.s32 $0x0;
	[sflag:s16] =	ssyncadd.s32 $0xFFFFC000  }
0x155: {  	v9 =	vld [tilespmem:s19+$0xD5E0]  }
0x156: {  	v10 =	vld [tilespmem:s19+$0x106C0]  }
0x157: {  	s20 =	simm.s32 $0x40;
	v11 =	vld [tilespmem:s19+$0x137A0]  }
.LBB2_18:
0x158: {  	p0 =	sne.s32 s20, $0xC340;
	v12 =	vld [tilespmem:s19+$0xA500];
	_ =	sdelay $0x2  }
.Ltmp9:
0x159: {  	(pc) =	sbr.rel @p0 .LBB2_18-.Ltmp9, $4  }
0x15a: {  	s21 =	sshra.s32 s20, $0x2  }
0x15b: {  	v11 =	vmin.f32 v10, v11;
	v12 =	vmin.f32 v12, v9;
	v9 =	vld [tilespmem:s21+$0xD5E0]  }
0x15c: {  	v10 =	vld [tilespmem:s21+$0x106C0];
	v12 =	vmin.f32 v12, v11  }
0x15d: {  	s20 =	sadd.s32 $0x40, s20;
	v11 =	vld [tilespmem:s21+$0x137A0];
	[tilespmem:s19+$0xA500] =	vst v12;
	s19 =	smov.u32 s21  }
0x15e: {  	v12 =	vld [tilespmem:s19+$0xA500];
	_ =	sdelay $0x4  }
0x15f: {  	v10 =	vmin.f32 v10, v11;
	v9 =	vmin.f32 v12, v9  }
0x160: {  	s18 =	sadd.s32 $0x1, s18;
	v9 =	vmin.f32 v9, v10  }
0x161: {  	p0 =	sne.s32 s18, s8;
	[tilespmem:s19+$0xA500] =	vst v9  }
0x162: {  	[hbm4b:s7+s6] =	stream.linear.scatter [tilespmem:s17], [sflag:$0x3], $0x30E0, $0x38;
	[tilespmem:$0x16900] =	vst v63  }
.Ltmp10:
0x163: {  	_ = 	snop;
	(pc) =	sbr.rel @p0 .LBB2_1-.Ltmp10, $4  }
.Ltmp11:
0x164: {  	_ = 	snop;
	(pc) =	sbr.rel @!p0 .LBB2_20-.Ltmp11, $4  }
0x165: {  	_ =	swait.ge [sflag:s11], $0x30E0  }
0x166: {  	[sflag:s11] =	ssyncset.done $0x0  }
0x167: {  	[sflag:s11] =	ssyncadd.s32 $0xFFFFCF20  }
0x168: {  	_ = 	snop  }
.LBB2_5:
.Ltmp12:
0x169: {  	(pc) =	sbr.rel .LBB2_8-.Ltmp12, $2  }
0x16a: {  	_ =	sdelay $0x2  }
0x16b: {  	s24 =	simm.s32 $0x1;
	s22 =	simm.s32 $0x0  }
.LBB2_20:
0x16c: {  	_ =	sfence.sel $0x180000  }
0x16d: {  	[bflag:$0x0] =	sbarrier.arrive $0xFFFF  }
0x16e: {  	p0 =	sne.s32 s0, $0x0;
	_ =	strace $0x90000047  }
0x16f: {  	s0 =	sadd.s32 @!p0 $0x100000, s5;
	[bflag:$0x2] =	sbarrier.arrive $0xFFFF  }
0x170: {  	[sflag:s0] =	ssyncadd.tile.s32 @!p0 $0x1;
	_ =	shalt  }
.Lfunc_end2:
_tile_overlayer_lowered:
.L_overlay_start_2:
0x171: {  	(tag) =	ssettag $0x2  }
0x172: {  	s0 =	rddreg [dreg:$0x0];
	s2 =	stileid.u32  }
0x173: {  	s1 =	rddreg [dreg:$0x1];
	p0 =	sne.s32 s2, $0x0  }
0x174: {  	s3 =	rddreg [dreg:$0x2];
	[bflag:$0x3] =	sbarrier.arrive $0xFFFF;
	s2 =	simm.s32 @!p0 $0x1C04  }
0x175: {  	[timem:s3], [sflag:s2] =	dma.local @!p0 [hbm:s0], s1  }
0x176: {  	s0 =	simm.s32 @!p0 $0x4  }
0x177: {  	_ =	swait.ge @!p0 [sflag:s0], s1  }
0x178: {  	s1 =	ssub.s32 @!p0 $0x0, s1;
	[sflag:s0] =	ssyncset.done @!p0 $0x0  }
0x179: {  	[sflag:s0] =	ssyncadd.s32 @!p0 s1  }
0x17a: {  	[bflag:$0x3] =	sbarrier.arrive $0xFFFF  }
0x17b: {  	_ =	shalt  }

</sc_bundles>
